<compile_context>
chip_gen: v7x
topology: tpu7x:2x2x1
jax: 0.10.2.dev20260603
libtpu: 0.0.44.dev20260713+nightly
codegen_flags: <defaults>
</compile_context>

<pallas_src>
import functools

import jax
import jax.numpy as jnp
import numpy as np
from jax import lax
from jax.experimental import pallas as pl
from jax.experimental.pallas import tpu as pltpu
from jax.experimental.pallas import tpu_sc as plsc

_N = 320000
_D = 128
_L = 16
_NJ = _D // _L
_NC = 2
_NS = 16
_NW = _NC * _NS
_RPW = _N // _NW

_NS_SC = 192000
_RPW_A = _NS_SC // _NW

_CA = 200
_NCH_A = _RPW_A // _CA
_CB = 200
_NCH_B = _RPW // _CB

_mesh = plsc.VectorSubcoreMesh(
    core_axis_name="c", subcore_axis_name="s", num_cores=_NC, num_subcores=_NS
)


def _worker_id():
    return lax.axis_index("s") * _NC + lax.axis_index("c")


@functools.partial(
    pl.kernel,
    out_type=jax.ShapeDtypeStruct((_NW * _D,), jnp.float32),
    mesh=_mesh,
    scratch_types=[
        pltpu.VMEM((2, _CA, _D), jnp.float32),
        pltpu.VMEM((_D,), jnp.float32),
        pltpu.SemaphoreType.DMA,
        pltpu.SemaphoreType.DMA,
    ],
)
def _partial_sums(x_hbm, out_hbm, buf, accv, sem0, sem1):
    wid = _worker_id()
    base = wid * _RPW_A
    sems = (sem0, sem1)

    for b in range(2):
        pltpu.async_copy(
            x_hbm.at[pl.ds(base + b * _CA, _CA)], buf.at[b], sems[b]
        )

    zero = jnp.zeros((_L,), jnp.float32)
    init = (zero,) * _NJ

    @pl.loop(0, _NCH_A // 2, init_carry=init)
    def acc_loop(g, acc):
        for b in range(2):
            pltpu.make_async_copy(
                x_hbm.at[pl.ds(0, _CA)], buf.at[b], sems[b]
            ).wait()

            @pl.loop(0, _CA, init_carry=acc, unroll=4)
            def row_loop(r, a):
                return tuple(
                    a[j] + buf[b, r, pl.ds(j * _L, _L)] for j in range(_NJ)
                )

            acc = row_loop

            @pl.when(g + 1 < _NCH_A // 2)
            def _():
                nxt = base + (2 * (g + 1) + b) * _CA
                pltpu.async_copy(
                    x_hbm.at[pl.ds(nxt, _CA)], buf.at[b], sems[b]
                )

        return acc

    for j in range(_NJ):
        accv[pl.ds(j * _L, _L)] = acc_loop[j]
    pltpu.sync_copy(accv, out_hbm.at[pl.ds(wid * _D, _D)])


@functools.partial(
    pl.kernel,
    out_type=jax.ShapeDtypeStruct((_N, _D), jnp.float32),
    mesh=_mesh,
    scratch_types=[
        pltpu.VMEM((_NW * _D,), jnp.float32),
        pltpu.VMEM((2, _CB, _D), jnp.float32),
        pltpu.VMEM((2, _CB, _D), jnp.float32),
        pltpu.SemaphoreType.DMA,
        pltpu.SemaphoreType.DMA,
        pltpu.SemaphoreType.DMA,
        pltpu.SemaphoreType.DMA,
    ],
)
def _subtract_mean(x_hbm, sums_hbm, out_hbm, pbuf, ibuf, obuf,
                   isem0, isem1, osem0, osem1):
    wid = _worker_id()
    base = wid * _RPW
    isems = (isem0, isem1)
    osems = (osem0, osem1)

    pltpu.sync_copy(sums_hbm, pbuf)

    zero = jnp.zeros((_L,), jnp.float32)

    @pl.loop(0, _NW, init_carry=(zero,) * _NJ, unroll=4)
    def red_loop(w, m):
        return tuple(
            m[j] + pbuf[pl.ds(w * _D + j * _L, _L)] for j in range(_NJ)
        )

    scale = np.float32(1.0 / _N)
    mean = tuple(m * scale for m in red_loop)

    for b in range(2):
        pltpu.async_copy(
            x_hbm.at[pl.ds(base + b * _CB, _CB)], ibuf.at[b], isems[b]
        )

    @pl.loop(0, _NCH_B // 2)
    def chunk_loop(g):
        for b in range(2):
            pltpu.make_async_copy(
                x_hbm.at[pl.ds(0, _CB)], ibuf.at[b], isems[b]
            ).wait()

            @pl.when(g >= 1)
            def _():
                pltpu.make_async_copy(
                    obuf.at[b], out_hbm.at[pl.ds(0, _CB)], osems[b]
                ).wait()

            @pl.loop(0, _CB, unroll=2)
            def row_loop(r):
                for j in range(_NJ):
                    sl = pl.ds(j * _L, _L)
                    obuf[b, r, sl] = ibuf[b, r, sl] - mean[j]

            c = 2 * g + b
            pltpu.async_copy(
                obuf.at[b], out_hbm.at[pl.ds(base + c * _CB, _CB)], osems[b]
            )

            @pl.when(g + 1 < _NCH_B // 2)
            def _():
                nxt = base + (2 * (g + 1) + b) * _CB
                pltpu.async_copy(
                    x_hbm.at[pl.ds(nxt, _CB)], ibuf.at[b], isems[b]
                )

    for b in range(2):
        pltpu.make_async_copy(
            obuf.at[b], out_hbm.at[pl.ds(0, _CB)], osems[b]
        ).wait()



_BM = 16000
_BMS = 6400

_NBLK_TCSUM = (_N - _NS_SC) // _BMS
_BLK0_TCSUM = _NS_SC // _BMS


def _sum_tc_body(x_ref, o_ref):
    @pl.when(pl.program_id(0) == 0)
    def _():
        o_ref[...] = jnp.zeros_like(o_ref)

    o_ref[...] += jnp.sum(x_ref[...], axis=0, keepdims=True)


_partial_sum_tc = pl.pallas_call(
    _sum_tc_body,
    grid=(_NBLK_TCSUM,),
    in_specs=[pl.BlockSpec((_BMS, _D), lambda i: (_BLK0_TCSUM + i, 0))],
    out_specs=pl.BlockSpec((1, _D), lambda i: (0, 0)),
    out_shape=jax.ShapeDtypeStruct((1, _D), jnp.float32),
)


def _sub_tc_body(p_sc_ref, p_tc_ref, x_ref, o_ref):
    total = jnp.sum(p_sc_ref[...], axis=0, keepdims=True) + p_tc_ref[...]
    o_ref[...] = x_ref[...] - total * np.float32(1.0 / _N)


_subtract_tc = pl.pallas_call(
    _sub_tc_body,
    grid=(_N // _BM,),
    in_specs=[
        pl.BlockSpec((_NW, _D), lambda i: (0, 0)),
        pl.BlockSpec((1, _D), lambda i: (0, 0)),
        pl.BlockSpec((_BM, _D), lambda i: (i, 0)),
    ],
    out_specs=pl.BlockSpec((_BM, _D), lambda i: (i, 0)),
    out_shape=jax.ShapeDtypeStruct((_N, _D), jnp.float32),
)


@jax.jit
def kernel(x, index):
    del index
    sums_sc = _partial_sums(x)
    sums_tc = _partial_sum_tc(x)
    return _subtract_tc(sums_sc.reshape(_NW, _D), sums_tc, x)

# --- scband reference (transcript-rebuilt; emitter-appended) ---
"""Pipeline reference for scband-agg-substraction-41068477284661 (READ-ONLY COPY).

The authoritative reference and input builder live on the scoring server;
editing this copy changes nothing except your own understanding.
"""

import jax, jax.numpy as jnp
import numpy as np


def setup_inputs(seed: int = 0) -> dict:
    key = jax.random.key(seed)
    x = jax.random.normal(key, (320000, 128), dtype=jnp.float32)
    # index all zeros -> a single segment; matches PyG behavior for index=None
    # and is the only configuration where `x - aggr(x, index)` broadcasts
    # ([1, d] against [N, d]).
    index = jnp.zeros((320000,), dtype=jnp.int32)
    return {"x": x, "index": index}


def reference(x, index):
    # AggSubstraction with aggr='mean': x - segment_mean(x, index)
    num_segments = 1
    seg_sum = jax.ops.segment_sum(x, index, num_segments=num_segments)
    counts = jax.ops.segment_sum(jnp.ones((x.shape[0],), dtype=x.dtype), index, num_segments=num_segments)
    seg_mean = seg_sum / jnp.clip(counts, 1.0, None)[:, None]
    return x - seg_mean

if __name__ == "__main__":
    import jax
    _d = setup_inputs()
    print(jax.jit(kernel)(*tuple(_d.values())))

</pallas_src>

<mosaic_0001>
#map = affine_map<(d0, d1) -> (0, 0)>
#map1 = affine_map<(d0, d1) -> (0)>
module attributes {stable_mosaic.version = 14 : i64} {
  func.func @_partial_sums(%arg0: i32, %arg1: i32, %arg2: memref<320000x128xf32, #tpu.memory_space<hbm>>, %arg3: memref<4096xf32, #tpu.memory_space<hbm>>, %arg4: memref<2x200x128xf32, #tpu.memory_space<vmem>>, %arg5: memref<128xf32, #tpu.memory_space<vmem>>, %arg6: memref<!tpu.dma_semaphore, #tpu.memory_space<semaphore_mem>>, %arg7: memref<!tpu.dma_semaphore, #tpu.memory_space<semaphore_mem>>) attributes {dimension_semantics = [#tpu.dimension_semantics<core_parallel>, #tpu.dimension_semantics<subcore_parallel>], iteration_bounds = array<i64: 2, 16>, scalar_prefetch = 0 : i64, scratch_operands = 4 : i64, tpu.core_type = #tpu.core_type<sc_vector_subcore>, window_params = [{transform_indices = #map}, {transform_indices = #map1}]} {
    %mul3A = arith.constant 2 : i32
    %mul3A_0 = arith.muli %arg1, %mul3A : i32
    %add3A = arith.addi %mul3A_0, %arg0 : i32
    %mul3A_1 = arith.constant 6000 : i32
    %mul3A_2 = arith.muli %add3A, %mul3A_1 : i32
    %add3A_3 = arith.constant 0 : i32
    %add3A_4 = arith.addi %mul3A_2, %add3A_3 : i32
    %dma_start3A = arith.constant 0 : i32
    %dma_start3A_5 = arith.constant 0 : i32
    %dma_start3A_6 = arith.constant 0 : i32
    %dma_start3A_7 = tpu.memref_slice %arg4[%dma_start3A, %dma_start3A_5, %dma_start3A_6] : memref<2x200x128xf32, #tpu.memory_space<vmem>> -> memref<1x200x128xf32, #tpu.memory_space<vmem>>
    %dma_start3A_8 = tpu.memref_squeeze %dma_start3A_7 : memref<1x200x128xf32, #tpu.memory_space<vmem>> -> memref<200x128xf32, #tpu.memory_space<vmem>>
    %dma_start3A_9 = arith.constant 0 : i32
    %dma_start3A_10 = tpu.memref_slice %arg2[%add3A_4, %dma_start3A_9] : memref<320000x128xf32, #tpu.memory_space<hbm>> -> memref<200x128xf32, #tpu.memory_space<hbm>>
    %dma_start3A_11 = arith.constant 0 : i32
    %dma_start3A_12 = arith.constant 0 : i32
    %dma_start3A_13 = tpu.memref_slice %arg4[%dma_start3A, %dma_start3A_11, %dma_start3A_12] : memref<2x200x128xf32, #tpu.memory_space<vmem>> -> memref<1x200x128xf32, #tpu.memory_space<vmem>>
    %dma_start3A_14 = tpu.memref_squeeze %dma_start3A_13 : memref<1x200x128xf32, #tpu.memory_space<vmem>> -> memref<200x128xf32, #tpu.memory_space<vmem>>
    %dma_start3A_15 = arith.constant 0 : i32
    %dma_start3A_16 = tpu.memref_slice %arg2[%add3A_4, %dma_start3A_15] : memref<320000x128xf32, #tpu.memory_space<hbm>> -> memref<200x128xf32, #tpu.memory_space<hbm>>
    tpu.enqueue_dma source(%dma_start3A_16 : memref<200x128xf32, #tpu.memory_space<hbm>>) target(%dma_start3A_14 : memref<200x128xf32, #tpu.memory_space<vmem>>) target_semaphore(%arg6 : memref<!tpu.dma_semaphore, #tpu.memory_space<semaphore_mem>>)
    %add3A_17 = arith.constant 200 : i32
    %add3A_18 = arith.addi %mul3A_2, %add3A_17 : i32
    %dma_start3A_19 = arith.constant 1 : i32
    %dma_start3A_20 = arith.constant 0 : i32
    %dma_start3A_21 = arith.constant 0 : i32
    %dma_start3A_22 = tpu.memref_slice %arg4[%dma_start3A_19, %dma_start3A_20, %dma_start3A_21] : memref<2x200x128xf32, #tpu.memory_space<vmem>> -> memref<1x200x128xf32, #tpu.memory_space<vmem>>
    %dma_start3A_23 = tpu.memref_squeeze %dma_start3A_22 : memref<1x200x128xf32, #tpu.memory_space<vmem>> -> memref<200x128xf32, #tpu.memory_space<vmem>>
    %dma_start3A_24 = arith.constant 0 : i32
    %dma_start3A_25 = tpu.memref_slice %arg2[%add3A_18, %dma_start3A_24] : memref<320000x128xf32, #tpu.memory_space<hbm>> -> memref<200x128xf32, #tpu.memory_space<hbm>>
    %dma_start3A_26 = arith.constant 0 : i32
    %dma_start3A_27 = arith.constant 0 : i32
    %dma_start3A_28 = tpu.memref_slice %arg4[%dma_start3A_19, %dma_start3A_26, %dma_start3A_27] : memref<2x200x128xf32, #tpu.memory_space<vmem>> -> memref<1x200x128xf32, #tpu.memory_space<vmem>>
    %dma_start3A_29 = tpu.memref_squeeze %dma_start3A_28 : memref<1x200x128xf32, #tpu.memory_space<vmem>> -> memref<200x128xf32, #tpu.memory_space<vmem>>
    %dma_start3A_30 = arith.constant 0 : i32
    %dma_start3A_31 = tpu.memref_slice %arg2[%add3A_18, %dma_start3A_30] : memref<320000x128xf32, #tpu.memory_space<hbm>> -> memref<200x128xf32, #tpu.memory_space<hbm>>
    tpu.enqueue_dma source(%dma_start3A_31 : memref<200x128xf32, #tpu.memory_space<hbm>>) target(%dma_start3A_29 : memref<200x128xf32, #tpu.memory_space<vmem>>) target_semaphore(%arg7 : memref<!tpu.dma_semaphore, #tpu.memory_space<semaphore_mem>>)
    %broadcast_in_dim3A = arith.constant 0.000000e+00 : f32
    %broadcast_in_dim3A_32 = vector.broadcast %broadcast_in_dim3A : f32 to vector<16xf32>
    %scan3A = arith.constant 0 : i32
    %scan3A_33 = arith.constant 15 : i32
    %scan3A_34 = arith.addi %scan3A, %scan3A_33 : i32
    %scan3A_35 = arith.constant 1 : i32
    %scan3A_36:8 = scf.for %scan3A_71 = %scan3A to %scan3A_34 step %scan3A_35 iter_args(%scan3A_72 = %broadcast_in_dim3A_32, %scan3A_73 = %broadcast_in_dim3A_32, %scan3A_74 = %broadcast_in_dim3A_32, %scan3A_75 = %broadcast_in_dim3A_32, %scan3A_76 = %broadcast_in_dim3A_32, %scan3A_77 = %broadcast_in_dim3A_32, %scan3A_78 = %broadcast_in_dim3A_32, %scan3A_79 = %broadcast_in_dim3A_32) -> (vector<16xf32>, vector<16xf32>, vector<16xf32>, vector<16xf32>, vector<16xf32>, vector<16xf32>, vector<16xf32>, vector<16xf32>)  : i32 {
      %mul3A_80 = arith.constant 1 : i32
      %mul3A_81 = arith.muli %scan3A_71, %mul3A_80 : i32
      %add3A_82 = arith.constant 0 : i32
      %add3A_83 = arith.addi %add3A_82, %mul3A_81 : i32
      %dma_wait3A = arith.constant 0 : i32
      %dma_wait3A_84 = arith.constant 0 : i32
      %dma_wait3A_85 = arith.constant 0 : i32
      %dma_wait3A_86 = tpu.memref_slice %arg4[%dma_wait3A, %dma_wait3A_84, %dma_wait3A_85] : memref<2x200x128xf32, #tpu.memory_space<vmem>> -> memref<1x200x128xf32, #tpu.memory_space<vmem>>
      %dma_wait3A_87 = tpu.memref_squeeze %dma_wait3A_86 : memref<1x200x128xf32, #tpu.memory_space<vmem>> -> memref<200x128xf32, #tpu.memory_space<vmem>>
      %dma_wait3A_88 = arith.constant 0 : i32
      %dma_wait3A_89 = arith.constant 0 : i32
      %dma_wait3A_90 = tpu.memref_slice %arg2[%dma_wait3A_88, %dma_wait3A_89] : memref<320000x128xf32, #tpu.memory_space<hbm>> -> memref<200x128xf32, #tpu.memory_space<hbm>>
      %dma_wait3A_91 = arith.constant 0 : i32
      %dma_wait3A_92 = arith.constant 0 : i32
      %dma_wait3A_93 = tpu.memref_slice %arg4[%dma_wait3A, %dma_wait3A_91, %dma_wait3A_92] : memref<2x200x128xf32, #tpu.memory_space<vmem>> -> memref<1x200x128xf32, #tpu.memory_space<vmem>>
      %dma_wait3A_94 = tpu.memref_squeeze %dma_wait3A_93 : memref<1x200x128xf32, #tpu.memory_space<vmem>> -> memref<200x128xf32, #tpu.memory_space<vmem>>
      %dma_wait3A_95 = arith.constant 0 : i32
      %dma_wait3A_96 = arith.constant 0 : i32
      %dma_wait3A_97 = tpu.memref_slice %arg2[%dma_wait3A_95, %dma_wait3A_96] : memref<320000x128xf32, #tpu.memory_space<hbm>> -> memref<200x128xf32, #tpu.memory_space<hbm>>
      tpu.wait_dma2 semaphore(%arg6 : memref<!tpu.dma_semaphore, #tpu.memory_space<semaphore_mem>>) src(%dma_wait3A_97 : memref<200x128xf32, #tpu.memory_space<hbm>>) dst(%dma_wait3A_94 : memref<200x128xf32, #tpu.memory_space<vmem>>)
      %scan3A_98 = arith.constant 0 : i32
      %scan3A_99 = arith.constant 200 : i32
      %scan3A_100 = arith.addi %scan3A_98, %scan3A_99 : i32
      %scan3A_101 = arith.constant 4 : i32
      %scan3A_102:8 = scf.for %scan3A_136 = %scan3A_98 to %scan3A_100 step %scan3A_101 iter_args(%scan3A_137 = %scan3A_72, %scan3A_138 = %scan3A_73, %scan3A_139 = %scan3A_74, %scan3A_140 = %scan3A_75, %scan3A_141 = %scan3A_76, %scan3A_142 = %scan3A_77, %scan3A_143 = %scan3A_78, %scan3A_144 = %scan3A_79) -> (vector<16xf32>, vector<16xf32>, vector<16xf32>, vector<16xf32>, vector<16xf32>, vector<16xf32>, vector<16xf32>, vector<16xf32>)  : i32 {
        %mul3A_145 = arith.constant 1 : i32
        %mul3A_146 = arith.muli %scan3A_136, %mul3A_145 : i32
        %add3A_147 = arith.constant 0 : i32
        %add3A_148 = arith.addi %add3A_147, %mul3A_146 : i32
        %get3A = arith.constant 0 : i32
        %get3A_149 = arith.index_cast %get3A : i32 to index
        %get3A_150 = arith.index_cast %add3A_148 : i32 to index
        %get3A_151 = arith.constant 0 : index
        %get3A_152 = tpu.vector_load %arg4[%get3A_149, %get3A_150, %get3A_151] {strides = array<i32>} : memref<2x200x128xf32, #tpu.memory_space<vmem>>, vector<1x1x16xf32>,
        %get3A_153 = vector.shape_cast %get3A_152 : vector<1x1x16xf32> to vector<16xf32>
        %add3A_154 = arith.addf %scan3A_137, %get3A_153 : vector<16xf32>
        %get3A_155 = arith.constant 0 : i32
        %get3A_156 = arith.index_cast %get3A_155 : i32 to index
        %get3A_157 = arith.index_cast %add3A_148 : i32 to index
        %get3A_158 = arith.constant 16 : index
        %get3A_159 = tpu.vector_load %arg4[%get3A_156, %get3A_157, %get3A_158] {strides = array<i32>} : memref<2x200x128xf32, #tpu.memory_space<vmem>>, vector<1x1x16xf32>,
        %get3A_160 = vector.shape_cast %get3A_159 : vector<1x1x16xf32> to vector<16xf32>
        %add3A_161 = arith.addf %scan3A_138, %get3A_160 : vector<16xf32>
        %get3A_162 = arith.constant 0 : i32
        %get3A_163 = arith.index_cast %get3A_162 : i32 to index
        %get3A_164 = arith.index_cast %add3A_148 : i32 to index
        %get3A_165 = arith.constant 32 : index
        %get3A_166 = tpu.vector_load %arg4[%get3A_163, %get3A_164, %get3A_165] {strides = array<i32>} : memref<2x200x128xf32, #tpu.memory_space<vmem>>, vector<1x1x16xf32>,
        %get3A_167 = vector.shape_cast %get3A_166 : vector<1x1x16xf32> to vector<16xf32>
        %add3A_168 = arith.addf %scan3A_139, %get3A_167 : vector<16xf32>
        %get3A_169 = arith.constant 0 : i32
        %get3A_170 = arith.index_cast %get3A_169 : i32 to index
        %get3A_171 = arith.index_cast %add3A_148 : i32 to index
        %get3A_172 = arith.constant 48 : index
        %get3A_173 = tpu.vector_load %arg4[%get3A_170, %get3A_171, %get3A_172] {strides = array<i32>} : memref<2x200x128xf32, #tpu.memory_space<vmem>>, vector<1x1x16xf32>,
        %get3A_174 = vector.shape_cast %get3A_173 : vector<1x1x16xf32> to vector<16xf32>
        %add3A_175 = arith.addf %scan3A_140, %get3A_174 : vector<16xf32>
        %get3A_176 = arith.constant 0 : i32
        %get3A_177 = arith.index_cast %get3A_176 : i32 to index
        %get3A_178 = arith.index_cast %add3A_148 : i32 to index
        %get3A_179 = arith.constant 64 : index
        %get3A_180 = tpu.vector_load %arg4[%get3A_177, %get3A_178, %get3A_179] {strides = array<i32>} : memref<2x200x128xf32, #tpu.memory_space<vmem>>, vector<1x1x16xf32>,
        %get3A_181 = vector.shape_cast %get3A_180 : vector<1x1x16xf32> to vector<16xf32>
        %add3A_182 = arith.addf %scan3A_141, %get3A_181 : vector<16xf32>
        %get3A_183 = arith.constant 0 : i32
        %get3A_184 = arith.index_cast %get3A_183 : i32 to index
        %get3A_185 = arith.index_cast %add3A_148 : i32 to index
        %get3A_186 = arith.constant 80 : index
        %get3A_187 = tpu.vector_load %arg4[%get3A_184, %get3A_185, %get3A_186] {strides = array<i32>} : memref<2x200x128xf32, #tpu.memory_space<vmem>>, vector<1x1x16xf32>,
        %get3A_188 = vector.shape_cast %get3A_187 : vector<1x1x16xf32> to vector<16xf32>
        %add3A_189 = arith.addf %scan3A_142, %get3A_188 : vector<16xf32>
        %get3A_190 = arith.constant 0 : i32
        %get3A_191 = arith.index_cast %get3A_190 : i32 to index
        %get3A_192 = arith.index_cast %add3A_148 : i32 to index
        %get3A_193 = arith.constant 96 : index
        %get3A_194 = tpu.vector_load %arg4[%get3A_191, %get3A_192, %get3A_193] {strides = array<i32>} : memref<2x200x128xf32, #tpu.memory_space<vmem>>, vector<1x1x16xf32>,
        %get3A_195 = vector.shape_cast %get3A_194 : vector<1x1x16xf32> to vector<16xf32>
        %add3A_196 = arith.addf %scan3A_143, %get3A_195 : vector<16xf32>
        %get3A_197 = arith.constant 0 : i32
        %get3A_198 = arith.index_cast %get3A_197 : i32 to index
        %get3A_199 = arith.index_cast %add3A_148 : i32 to index
        %get3A_200 = arith.constant 112 : index
        %get3A_201 = tpu.vector_load %arg4[%get3A_198, %get3A_199, %get3A_200] {strides = array<i32>} : memref<2x200x128xf32, #tpu.memory_space<vmem>>, vector<1x1x16xf32>,
        %get3A_202 = vector.shape_cast %get3A_201 : vector<1x1x16xf32> to vector<16xf32>
        %add3A_203 = arith.addf %scan3A_144, %get3A_202 : vector<16xf32>
        %scan3A_204 = arith.constant 1 : i32
        %scan3A_205 = arith.addi %scan3A_136, %scan3A_204 : i32
        %mul3A_206 = arith.constant 1 : i32
        %mul3A_207 = arith.muli %scan3A_205, %mul3A_206 : i32
        %add3A_208 = arith.constant 0 : i32
        %add3A_209 = arith.addi %add3A_208, %mul3A_207 : i32
        %get3A_210 = arith.constant 0 : i32
        %get3A_211 = arith.index_cast %get3A_210 : i32 to index
        %get3A_212 = arith.index_cast %add3A_209 : i32 to index
        %get3A_213 = arith.constant 0 : index
        %get3A_214 = tpu.vector_load %arg4[%get3A_211, %get3A_212, %get3A_213] {strides = array<i32>} : memref<2x200x128xf32, #tpu.memory_space<vmem>>, vector<1x1x16xf32>,
        %get3A_215 = vector.shape_cast %get3A_214 : vector<1x1x16xf32> to vector<16xf32>
        %add3A_216 = arith.addf %add3A_154, %get3A_215 : vector<16xf32>
        %get3A_217 = arith.constant 0 : i32
        %get3A_218 = arith.index_cast %get3A_217 : i32 to index
        %get3A_219 = arith.index_cast %add3A_209 : i32 to index
        %get3A_220 = arith.constant 16 : index
        %get3A_221 = tpu.vector_load %arg4[%get3A_218, %get3A_219, %get3A_220] {strides = array<i32>} : memref<2x200x128xf32, #tpu.memory_space<vmem>>, vector<1x1x16xf32>,
        %get3A_222 = vector.shape_cast %get3A_221 : vector<1x1x16xf32> to vector<16xf32>
        %add3A_223 = arith.addf %add3A_161, %get3A_222 : vector<16xf32>
        %get3A_224 = arith.constant 0 : i32
        %get3A_225 = arith.index_cast %get3A_224 : i32 to index
        %get3A_226 = arith.index_cast %add3A_209 : i32 to index
        %get3A_227 = arith.constant 32 : index
        %get3A_228 = tpu.vector_load %arg4[%get3A_225, %get3A_226, %get3A_227] {strides = array<i32>} : memref<2x200x128xf32, #tpu.memory_space<vmem>>, vector<1x1x16xf32>,
        %get3A_229 = vector.shape_cast %get3A_228 : vector<1x1x16xf32> to vector<16xf32>
        %add3A_230 = arith.addf %add3A_168, %get3A_229 : vector<16xf32>
        %get3A_231 = arith.constant 0 : i32
        %get3A_232 = arith.index_cast %get3A_231 : i32 to index
        %get3A_233 = arith.index_cast %add3A_209 : i32 to index
        %get3A_234 = arith.constant 48 : index
        %get3A_235 = tpu.vector_load %arg4[%get3A_232, %get3A_233, %get3A_234] {strides = array<i32>} : memref<2x200x128xf32, #tpu.memory_space<vmem>>, vector<1x1x16xf32>,
        %get3A_236 = vector.shape_cast %get3A_235 : vector<1x1x16xf32> to vector<16xf32>
        %add3A_237 = arith.addf %add3A_175, %get3A_236 : vector<16xf32>
        %get3A_238 = arith.constant 0 : i32
        %get3A_239 = arith.index_cast %get3A_238 : i32 to index
        %get3A_240 = arith.index_cast %add3A_209 : i32 to index
        %get3A_241 = arith.constant 64 : index
        %get3A_242 = tpu.vector_load %arg4[%get3A_239, %get3A_240, %get3A_241] {strides = array<i32>} : memref<2x200x128xf32, #tpu.memory_space<vmem>>, vector<1x1x16xf32>,
        %get3A_243 = vector.shape_cast %get3A_242 : vector<1x1x16xf32> to vector<16xf32>
        %add3A_244 = arith.addf %add3A_182, %get3A_243 : vector<16xf32>
        %get3A_245 = arith.constant 0 : i32
        %get3A_246 = arith.index_cast %get3A_245 : i32 to index
        %get3A_247 = arith.index_cast %add3A_209 : i32 to index
        %get3A_248 = arith.constant 80 : index
        %get3A_249 = tpu.vector_load %arg4[%get3A_246, %get3A_247, %get3A_248] {strides = array<i32>} : memref<2x200x128xf32, #tpu.memory_space<vmem>>, vector<1x1x16xf32>,
        %get3A_250 = vector.shape_cast %get3A_249 : vector<1x1x16xf32> to vector<16xf32>
        %add3A_251 = arith.addf %add3A_189, %get3A_250 : vector<16xf32>
        %get3A_252 = arith.constant 0 : i32
        %get3A_253 = arith.index_cast %get3A_252 : i32 to index
        %get3A_254 = arith.index_cast %add3A_209 : i32 to index
        %get3A_255 = arith.constant 96 : index
        %get3A_256 = tpu.vector_load %arg4[%get3A_253, %get3A_254, %get3A_255] {strides = array<i32>} : memref<2x200x128xf32, #tpu.memory_space<vmem>>, vector<1x1x16xf32>,
        %get3A_257 = vector.shape_cast %get3A_256 : vector<1x1x16xf32> to vector<16xf32>
        %add3A_258 = arith.addf %add3A_196, %get3A_257 : vector<16xf32>
        %get3A_259 = arith.constant 0 : i32
        %get3A_260 = arith.index_cast %get3A_259 : i32 to index
        %get3A_261 = arith.index_cast %add3A_209 : i32 to index
        %get3A_262 = arith.constant 112 : index
        %get3A_263 = tpu.vector_load %arg4[%get3A_260, %get3A_261, %get3A_262] {strides = array<i32>} : memref<2x200x128xf32, #tpu.memory_space<vmem>>, vector<1x1x16xf32>,
        %get3A_264 = vector.shape_cast %get3A_263 : vector<1x1x16xf32> to vector<16xf32>
        %add3A_265 = arith.addf %add3A_203, %get3A_264 : vector<16xf32>
        %scan3A_266 = arith.constant 2 : i32
        %scan3A_267 = arith.addi %scan3A_136, %scan3A_266 : i32
        %mul3A_268 = arith.constant 1 : i32
        %mul3A_269 = arith.muli %scan3A_267, %mul3A_268 : i32
        %add3A_270 = arith.constant 0 : i32
        %add3A_271 = arith.addi %add3A_270, %mul3A_269 : i32
        %get3A_272 = arith.constant 0 : i32
        %get3A_273 = arith.index_cast %get3A_272 : i32 to index
        %get3A_274 = arith.index_cast %add3A_271 : i32 to index
        %get3A_275 = arith.constant 0 : index
        %get3A_276 = tpu.vector_load %arg4[%get3A_273, %get3A_274, %get3A_275] {strides = array<i32>} : memref<2x200x128xf32, #tpu.memory_space<vmem>>, vector<1x1x16xf32>,
        %get3A_277 = vector.shape_cast %get3A_276 : vector<1x1x16xf32> to vector<16xf32>
        %add3A_278 = arith.addf %add3A_216, %get3A_277 : vector<16xf32>
        %get3A_279 = arith.constant 0 : i32
        %get3A_280 = arith.index_cast %get3A_279 : i32 to index
        %get3A_281 = arith.index_cast %add3A_271 : i32 to index
        %get3A_282 = arith.constant 16 : index
        %get3A_283 = tpu.vector_load %arg4[%get3A_280, %get3A_281, %get3A_282] {strides = array<i32>} : memref<2x200x128xf32, #tpu.memory_space<vmem>>, vector<1x1x16xf32>,
        %get3A_284 = vector.shape_cast %get3A_283 : vector<1x1x16xf32> to vector<16xf32>
        %add3A_285 = arith.addf %add3A_223, %get3A_284 : vector<16xf32>
        %get3A_286 = arith.constant 0 : i32
        %get3A_287 = arith.index_cast %get3A_286 : i32 to index
        %get3A_288 = arith.index_cast %add3A_271 : i32 to index
        %get3A_289 = arith.constant 32 : index
        %get3A_290 = tpu.vector_load %arg4[%get3A_287, %get3A_288, %get3A_289] {strides = array<i32>} : memref<2x200x128xf32, #tpu.memory_space<vmem>>, vector<1x1x16xf32>,
        %get3A_291 = vector.shape_cast %get3A_290 : vector<1x1x16xf32> to vector<16xf32>
        %add3A_292 = arith.addf %add3A_230, %get3A_291 : vector<16xf32>
        %get3A_293 = arith.constant 0 : i32
        %get3A_294 = arith.index_cast %get3A_293 : i32 to index
        %get3A_295 = arith.index_cast %add3A_271 : i32 to index
        %get3A_296 = arith.constant 48 : index
        %get3A_297 = tpu.vector_load %arg4[%get3A_294, %get3A_295, %get3A_296] {strides = array<i32>} : memref<2x200x128xf32, #tpu.memory_space<vmem>>, vector<1x1x16xf32>,
        %get3A_298 = vector.shape_cast %get3A_297 : vector<1x1x16xf32> to vector<16xf32>
        %add3A_299 = arith.addf %add3A_237, %get3A_298 : vector<16xf32>
        %get3A_300 = arith.constant 0 : i32
        %get3A_301 = arith.index_cast %get3A_300 : i32 to index
        %get3A_302 = arith.index_cast %add3A_271 : i32 to index
        %get3A_303 = arith.constant 64 : index
        %get3A_304 = tpu.vector_load %arg4[%get3A_301, %get3A_302, %get3A_303] {strides = array<i32>} : memref<2x200x128xf32, #tpu.memory_space<vmem>>, vector<1x1x16xf32>,
        %get3A_305 = vector.shape_cast %get3A_304 : vector<1x1x16xf32> to vector<16xf32>
        %add3A_306 = arith.addf %add3A_244, %get3A_305 : vector<16xf32>
        %get3A_307 = arith.constant 0 : i32
        %get3A_308 = arith.index_cast %get3A_307 : i32 to index
        %get3A_309 = arith.index_cast %add3A_271 : i32 to index
        %get3A_310 = arith.constant 80 : index
        %get3A_311 = tpu.vector_load %arg4[%get3A_308, %get3A_309, %get3A_310] {strides = array<i32>} : memref<2x200x128xf32, #tpu.memory_space<vmem>>, vector<1x1x16xf32>,
        %get3A_312 = vector.shape_cast %get3A_311 : vector<1x1x16xf32> to vector<16xf32>
        %add3A_313 = arith.addf %add3A_251, %get3A_312 : vector<16xf32>
        %get3A_314 = arith.constant 0 : i32
        %get3A_315 = arith.index_cast %get3A_314 : i32 to index
        %get3A_316 = arith.index_cast %add3A_271 : i32 to index
        %get3A_317 = arith.constant 96 : index
        %get3A_318 = tpu.vector_load %arg4[%get3A_315, %get3A_316, %get3A_317] {strides = array<i32>} : memref<2x200x128xf32, #tpu.memory_space<vmem>>, vector<1x1x16xf32>,
        %get3A_319 = vector.shape_cast %get3A_318 : vector<1x1x16xf32> to vector<16xf32>
        %add3A_320 = arith.addf %add3A_258, %get3A_319 : vector<16xf32>
        %get3A_321 = arith.constant 0 : i32
        %get3A_322 = arith.index_cast %get3A_321 : i32 to index
        %get3A_323 = arith.index_cast %add3A_271 : i32 to index
        %get3A_324 = arith.constant 112 : index
        %get3A_325 = tpu.vector_load %arg4[%get3A_322, %get3A_323, %get3A_324] {strides = array<i32>} : memref<2x200x128xf32, #tpu.memory_space<vmem>>, vector<1x1x16xf32>,
        %get3A_326 = vector.shape_cast %get3A_325 : vector<1x1x16xf32> to vector<16xf32>
        %add3A_327 = arith.addf %add3A_265, %get3A_326 : vector<16xf32>
        %scan3A_328 = arith.constant 3 : i32
        %scan3A_329 = arith.addi %scan3A_136, %scan3A_328 : i32
        %mul3A_330 = arith.constant 1 : i32
        %mul3A_331 = arith.muli %scan3A_329, %mul3A_330 : i32
        %add3A_332 = arith.constant 0 : i32
        %add3A_333 = arith.addi %add3A_332, %mul3A_331 : i32
        %get3A_334 = arith.constant 0 : i32
        %get3A_335 = arith.index_cast %get3A_334 : i32 to index
        %get3A_336 = arith.index_cast %add3A_333 : i32 to index
        %get3A_337 = arith.constant 0 : index
        %get3A_338 = tpu.vector_load %arg4[%get3A_335, %get3A_336, %get3A_337] {strides = array<i32>} : memref<2x200x128xf32, #tpu.memory_space<vmem>>, vector<1x1x16xf32>,
        %get3A_339 = vector.shape_cast %get3A_338 : vector<1x1x16xf32> to vector<16xf32>
        %add3A_340 = arith.addf %add3A_278, %get3A_339 : vector<16xf32>
        %get3A_341 = arith.constant 0 : i32
        %get3A_342 = arith.index_cast %get3A_341 : i32 to index
        %get3A_343 = arith.index_cast %add3A_333 : i32 to index
        %get3A_344 = arith.constant 16 : index
        %get3A_345 = tpu.vector_load %arg4[%get3A_342, %get3A_343, %get3A_344] {strides = array<i32>} : memref<2x200x128xf32, #tpu.memory_space<vmem>>, vector<1x1x16xf32>,
        %get3A_346 = vector.shape_cast %get3A_345 : vector<1x1x16xf32> to vector<16xf32>
        %add3A_347 = arith.addf %add3A_285, %get3A_346 : vector<16xf32>
        %get3A_348 = arith.constant 0 : i32
        %get3A_349 = arith.index_cast %get3A_348 : i32 to index
        %get3A_350 = arith.index_cast %add3A_333 : i32 to index
        %get3A_351 = arith.constant 32 : index
        %get3A_352 = tpu.vector_load %arg4[%get3A_349, %get3A_350, %get3A_351] {strides = array<i32>} : memref<2x200x128xf32, #tpu.memory_space<vmem>>, vector<1x1x16xf32>,
        %get3A_353 = vector.shape_cast %get3A_352 : vector<1x1x16xf32> to vector<16xf32>
        %add3A_354 = arith.addf %add3A_292, %get3A_353 : vector<16xf32>
        %get3A_355 = arith.constant 0 : i32
        %get3A_356 = arith.index_cast %get3A_355 : i32 to index
        %get3A_357 = arith.index_cast %add3A_333 : i32 to index
        %get3A_358 = arith.constant 48 : index
        %get3A_359 = tpu.vector_load %arg4[%get3A_356, %get3A_357, %get3A_358] {strides = array<i32>} : memref<2x200x128xf32, #tpu.memory_space<vmem>>, vector<1x1x16xf32>,
        %get3A_360 = vector.shape_cast %get3A_359 : vector<1x1x16xf32> to vector<16xf32>
        %add3A_361 = arith.addf %add3A_299, %get3A_360 : vector<16xf32>
        %get3A_362 = arith.constant 0 : i32
        %get3A_363 = arith.index_cast %get3A_362 : i32 to index
        %get3A_364 = arith.index_cast %add3A_333 : i32 to index
        %get3A_365 = arith.constant 64 : index
        %get3A_366 = tpu.vector_load %arg4[%get3A_363, %get3A_364, %get3A_365] {strides = array<i32>} : memref<2x200x128xf32, #tpu.memory_space<vmem>>, vector<1x1x16xf32>,
        %get3A_367 = vector.shape_cast %get3A_366 : vector<1x1x16xf32> to vector<16xf32>
        %add3A_368 = arith.addf %add3A_306, %get3A_367 : vector<16xf32>
        %get3A_369 = arith.constant 0 : i32
        %get3A_370 = arith.index_cast %get3A_369 : i32 to index
        %get3A_371 = arith.index_cast %add3A_333 : i32 to index
        %get3A_372 = arith.constant 80 : index
        %get3A_373 = tpu.vector_load %arg4[%get3A_370, %get3A_371, %get3A_372] {strides = array<i32>} : memref<2x200x128xf32, #tpu.memory_space<vmem>>, vector<1x1x16xf32>,
        %get3A_374 = vector.shape_cast %get3A_373 : vector<1x1x16xf32> to vector<16xf32>
        %add3A_375 = arith.addf %add3A_313, %get3A_374 : vector<16xf32>
        %get3A_376 = arith.constant 0 : i32
        %get3A_377 = arith.index_cast %get3A_376 : i32 to index
        %get3A_378 = arith.index_cast %add3A_333 : i32 to index
        %get3A_379 = arith.constant 96 : index
        %get3A_380 = tpu.vector_load %arg4[%get3A_377, %get3A_378, %get3A_379] {strides = array<i32>} : memref<2x200x128xf32, #tpu.memory_space<vmem>>, vector<1x1x16xf32>,
        %get3A_381 = vector.shape_cast %get3A_380 : vector<1x1x16xf32> to vector<16xf32>
        %add3A_382 = arith.addf %add3A_320, %get3A_381 : vector<16xf32>
        %get3A_383 = arith.constant 0 : i32
        %get3A_384 = arith.index_cast %get3A_383 : i32 to index
        %get3A_385 = arith.index_cast %add3A_333 : i32 to index
        %get3A_386 = arith.constant 112 : index
        %get3A_387 = tpu.vector_load %arg4[%get3A_384, %get3A_385, %get3A_386] {strides = array<i32>} : memref<2x200x128xf32, #tpu.memory_space<vmem>>, vector<1x1x16xf32>,
        %get3A_388 = vector.shape_cast %get3A_387 : vector<1x1x16xf32> to vector<16xf32>
        %add3A_389 = arith.addf %add3A_327, %get3A_388 : vector<16xf32>
        scf.yield %add3A_340, %add3A_347, %add3A_354, %add3A_361, %add3A_368, %add3A_375, %add3A_382, %add3A_389 : vector<16xf32>, vector<16xf32>, vector<16xf32>, vector<16xf32>, vector<16xf32>, vector<16xf32>, vector<16xf32>, vector<16xf32>
      }
      %scan3A_103 = arith.constant 200 : i32
      %add3A_104 = arith.constant 1 : i32
      %add3A_105 = arith.addi %add3A_83, %add3A_104 : i32
      %lt3A = arith.constant 15 : i32
      %lt3A_106 = arith.cmpi slt, %add3A_105, %lt3A : i32
      %convert_element_type3A = arith.extui %lt3A_106 : i1 to i32
      %cond3A = arith.constant 0 : i32
      %cond3A_107 = arith.cmpi ne, %convert_element_type3A, %cond3A : i32
      scf.if %cond3A_107 {
        %add3A_136 = arith.constant 1 : i32
        %add3A_137 = arith.addi %add3A_83, %add3A_136 : i32
        %mul3A_138 = arith.constant 2 : i32
        %mul3A_139 = arith.muli %mul3A_138, %add3A_137 : i32
        %add3A_140 = arith.constant 0 : i32
        %add3A_141 = arith.addi %mul3A_139, %add3A_140 : i32
        %mul3A_142 = arith.constant 200 : i32
        %mul3A_143 = arith.muli %add3A_141, %mul3A_142 : i32
        %add3A_144 = arith.addi %mul3A_2, %mul3A_143 : i32
        %dma_start3A_145 = arith.constant 0 : i32
        %dma_start3A_146 = arith.constant 0 : i32
        %dma_start3A_147 = arith.constant 0 : i32
        %dma_start3A_148 = tpu.memref_slice %arg4[%dma_start3A_145, %dma_start3A_146, %dma_start3A_147] : memref<2x200x128xf32, #tpu.memory_space<vmem>> -> memref<1x200x128xf32, #tpu.memory_space<vmem>>
        %dma_start3A_149 = tpu.memref_squeeze %dma_start3A_148 : memref<1x200x128xf32, #tpu.memory_space<vmem>> -> memref<200x128xf32, #tpu.memory_space<vmem>>
        %dma_start3A_150 = arith.constant 0 : i32
        %dma_start3A_151 = tpu.memref_slice %arg2[%add3A_144, %dma_start3A_150] : memref<320000x128xf32, #tpu.memory_space<hbm>> -> memref<200x128xf32, #tpu.memory_space<hbm>>
        %dma_start3A_152 = arith.constant 0 : i32
        %dma_start3A_153 = arith.constant 0 : i32
        %dma_start3A_154 = tpu.memref_slice %arg4[%dma_start3A_145, %dma_start3A_152, %dma_start3A_153] : memref<2x200x128xf32, #tpu.memory_space<vmem>> -> memref<1x200x128xf32, #tpu.memory_space<vmem>>
        %dma_start3A_155 = tpu.memref_squeeze %dma_start3A_154 : memref<1x200x128xf32, #tpu.memory_space<vmem>> -> memref<200x128xf32, #tpu.memory_space<vmem>>
        %dma_start3A_156 = arith.constant 0 : i32
        %dma_start3A_157 = tpu.memref_slice %arg2[%add3A_144, %dma_start3A_156] : memref<320000x128xf32, #tpu.memory_space<hbm>> -> memref<200x128xf32, #tpu.memory_space<hbm>>
        tpu.enqueue_dma source(%dma_start3A_157 : memref<200x128xf32, #tpu.memory_space<hbm>>) target(%dma_start3A_155 : memref<200x128xf32, #tpu.memory_space<vmem>>) target_semaphore(%arg6 : memref<!tpu.dma_semaphore, #tpu.memory_space<semaphore_mem>>)
      } else {
      }
      %dma_wait3A_108 = arith.constant 1 : i32
      %dma_wait3A_109 = arith.constant 0 : i32
      %dma_wait3A_110 = arith.constant 0 : i32
      %dma_wait3A_111 = tpu.memref_slice %arg4[%dma_wait3A_108, %dma_wait3A_109, %dma_wait3A_110] : memref<2x200x128xf32, #tpu.memory_space<vmem>> -> memref<1x200x128xf32, #tpu.memory_space<vmem>>
      %dma_wait3A_112 = tpu.memref_squeeze %dma_wait3A_111 : memref<1x200x128xf32, #tpu.memory_space<vmem>> -> memref<200x128xf32, #tpu.memory_space<vmem>>
      %dma_wait3A_113 = arith.constant 0 : i32
      %dma_wait3A_114 = arith.constant 0 : i32
      %dma_wait3A_115 = tpu.memref_slice %arg2[%dma_wait3A_113, %dma_wait3A_114] : memref<320000x128xf32, #tpu.memory_space<hbm>> -> memref<200x128xf32, #tpu.memory_space<hbm>>
      %dma_wait3A_116 = arith.constant 0 : i32
      %dma_wait3A_117 = arith.constant 0 : i32
      %dma_wait3A_118 = tpu.memref_slice %arg4[%dma_wait3A_108, %dma_wait3A_116, %dma_wait3A_117] : memref<2x200x128xf32, #tpu.memory_space<vmem>> -> memref<1x200x128xf32, #tpu.memory_space<vmem>>
      %dma_wait3A_119 = tpu.memref_squeeze %dma_wait3A_118 : memref<1x200x128xf32, #tpu.memory_space<vmem>> -> memref<200x128xf32, #tpu.memory_space<vmem>>
      %dma_wait3A_120 = arith.constant 0 : i32
      %dma_wait3A_121 = arith.constant 0 : i32
      %dma_wait3A_122 = tpu.memref_slice %arg2[%dma_wait3A_120, %dma_wait3A_121] : memref<320000x128xf32, #tpu.memory_space<hbm>> -> memref<200x128xf32, #tpu.memory_space<hbm>>
      tpu.wait_dma2 semaphore(%arg7 : memref<!tpu.dma_semaphore, #tpu.memory_space<semaphore_mem>>) src(%dma_wait3A_122 : memref<200x128xf32, #tpu.memory_space<hbm>>) dst(%dma_wait3A_119 : memref<200x128xf32, #tpu.memory_space<vmem>>)
      %scan3A_123 = arith.constant 0 : i32
      %scan3A_124 = arith.constant 200 : i32
      %scan3A_125 = arith.addi %scan3A_123, %scan3A_124 : i32
      %scan3A_126 = arith.constant 4 : i32
      %scan3A_127:8 = scf.for %scan3A_136 = %scan3A_123 to %scan3A_125 step %scan3A_126 iter_args(%scan3A_137 = %scan3A_102#0, %scan3A_138 = %scan3A_102#1, %scan3A_139 = %scan3A_102#2, %scan3A_140 = %scan3A_102#3, %scan3A_141 = %scan3A_102#4, %scan3A_142 = %scan3A_102#5, %scan3A_143 = %scan3A_102#6, %scan3A_144 = %scan3A_102#7) -> (vector<16xf32>, vector<16xf32>, vector<16xf32>, vector<16xf32>, vector<16xf32>, vector<16xf32>, vector<16xf32>, vector<16xf32>)  : i32 {
        %mul3A_145 = arith.constant 1 : i32
        %mul3A_146 = arith.muli %scan3A_136, %mul3A_145 : i32
        %add3A_147 = arith.constant 0 : i32
        %add3A_148 = arith.addi %add3A_147, %mul3A_146 : i32
        %get3A = arith.constant 1 : i32
        %get3A_149 = arith.index_cast %get3A : i32 to index
        %get3A_150 = arith.index_cast %add3A_148 : i32 to index
        %get3A_151 = arith.constant 0 : index
        %get3A_152 = tpu.vector_load %arg4[%get3A_149, %get3A_150, %get3A_151] {strides = array<i32>} : memref<2x200x128xf32, #tpu.memory_space<vmem>>, vector<1x1x16xf32>,
        %get3A_153 = vector.shape_cast %get3A_152 : vector<1x1x16xf32> to vector<16xf32>
        %add3A_154 = arith.addf %scan3A_137, %get3A_153 : vector<16xf32>
        %get3A_155 = arith.constant 1 : i32
        %get3A_156 = arith.index_cast %get3A_155 : i32 to index
        %get3A_157 = arith.index_cast %add3A_148 : i32 to index
        %get3A_158 = arith.constant 16 : index
        %get3A_159 = tpu.vector_load %arg4[%get3A_156, %get3A_157, %get3A_158] {strides = array<i32>} : memref<2x200x128xf32, #tpu.memory_space<vmem>>, vector<1x1x16xf32>,
        %get3A_160 = vector.shape_cast %get3A_159 : vector<1x1x16xf32> to vector<16xf32>
        %add3A_161 = arith.addf %scan3A_138, %get3A_160 : vector<16xf32>
        %get3A_162 = arith.constant 1 : i32
        %get3A_163 = arith.index_cast %get3A_162 : i32 to index
        %get3A_164 = arith.index_cast %add3A_148 : i32 to index
        %get3A_165 = arith.constant 32 : index
        %get3A_166 = tpu.vector_load %arg4[%get3A_163, %get3A_164, %get3A_165] {strides = array<i32>} : memref<2x200x128xf32, #tpu.memory_space<vmem>>, vector<1x1x16xf32>,
        %get3A_167 = vector.shape_cast %get3A_166 : vector<1x1x16xf32> to vector<16xf32>
        %add3A_168 = arith.addf %scan3A_139, %get3A_167 : vector<16xf32>
        %get3A_169 = arith.constant 1 : i32
        %get3A_170 = arith.index_cast %get3A_169 : i32 to index
        %get3A_171 = arith.index_cast %add3A_148 : i32 to index
        %get3A_172 = arith.constant 48 : index
        %get3A_173 = tpu.vector_load %arg4[%get3A_170, %get3A_171, %get3A_172] {strides = array<i32>} : memref<2x200x128xf32, #tpu.memory_space<vmem>>, vector<1x1x16xf32>,
        %get3A_174 = vector.shape_cast %get3A_173 : vector<1x1x16xf32> to vector<16xf32>
        %add3A_175 = arith.addf %scan3A_140, %get3A_174 : vector<16xf32>
        %get3A_176 = arith.constant 1 : i32
        %get3A_177 = arith.index_cast %get3A_176 : i32 to index
        %get3A_178 = arith.index_cast %add3A_148 : i32 to index
        %get3A_179 = arith.constant 64 : index
        %get3A_180 = tpu.vector_load %arg4[%get3A_177, %get3A_178, %get3A_179] {strides = array<i32>} : memref<2x200x128xf32, #tpu.memory_space<vmem>>, vector<1x1x16xf32>,
        %get3A_181 = vector.shape_cast %get3A_180 : vector<1x1x16xf32> to vector<16xf32>
        %add3A_182 = arith.addf %scan3A_141, %get3A_181 : vector<16xf32>
        %get3A_183 = arith.constant 1 : i32
        %get3A_184 = arith.index_cast %get3A_183 : i32 to index
        %get3A_185 = arith.index_cast %add3A_148 : i32 to index
        %get3A_186 = arith.constant 80 : index
        %get3A_187 = tpu.vector_load %arg4[%get3A_184, %get3A_185, %get3A_186] {strides = array<i32>} : memref<2x200x128xf32, #tpu.memory_space<vmem>>, vector<1x1x16xf32>,
        %get3A_188 = vector.shape_cast %get3A_187 : vector<1x1x16xf32> to vector<16xf32>
        %add3A_189 = arith.addf %scan3A_142, %get3A_188 : vector<16xf32>
        %get3A_190 = arith.constant 1 : i32
        %get3A_191 = arith.index_cast %get3A_190 : i32 to index
        %get3A_192 = arith.index_cast %add3A_148 : i32 to index
        %get3A_193 = arith.constant 96 : index
        %get3A_194 = tpu.vector_load %arg4[%get3A_191, %get3A_192, %get3A_193] {strides = array<i32>} : memref<2x200x128xf32, #tpu.memory_space<vmem>>, vector<1x1x16xf32>,
        %get3A_195 = vector.shape_cast %get3A_194 : vector<1x1x16xf32> to vector<16xf32>
        %add3A_196 = arith.addf %scan3A_143, %get3A_195 : vector<16xf32>
        %get3A_197 = arith.constant 1 : i32
        %get3A_198 = arith.index_cast %get3A_197 : i32 to index
        %get3A_199 = arith.index_cast %add3A_148 : i32 to index
        %get3A_200 = arith.constant 112 : index
        %get3A_201 = tpu.vector_load %arg4[%get3A_198, %get3A_199, %get3A_200] {strides = array<i32>} : memref<2x200x128xf32, #tpu.memory_space<vmem>>, vector<1x1x16xf32>,
        %get3A_202 = vector.shape_cast %get3A_201 : vector<1x1x16xf32> to vector<16xf32>
        %add3A_203 = arith.addf %scan3A_144, %get3A_202 : vector<16xf32>
        %scan3A_204 = arith.constant 1 : i32
        %scan3A_205 = arith.addi %scan3A_136, %scan3A_204 : i32
        %mul3A_206 = arith.constant 1 : i32
        %mul3A_207 = arith.muli %scan3A_205, %mul3A_206 : i32
        %add3A_208 = arith.constant 0 : i32
        %add3A_209 = arith.addi %add3A_208, %mul3A_207 : i32
        %get3A_210 = arith.constant 1 : i32
        %get3A_211 = arith.index_cast %get3A_210 : i32 to index
        %get3A_212 = arith.index_cast %add3A_209 : i32 to index
        %get3A_213 = arith.constant 0 : index
        %get3A_214 = tpu.vector_load %arg4[%get3A_211, %get3A_212, %get3A_213] {strides = array<i32>} : memref<2x200x128xf32, #tpu.memory_space<vmem>>, vector<1x1x16xf32>,
        %get3A_215 = vector.shape_cast %get3A_214 : vector<1x1x16xf32> to vector<16xf32>
        %add3A_216 = arith.addf %add3A_154, %get3A_215 : vector<16xf32>
        %get3A_217 = arith.constant 1 : i32
        %get3A_218 = arith.index_cast %get3A_217 : i32 to index
        %get3A_219 = arith.index_cast %add3A_209 : i32 to index
        %get3A_220 = arith.constant 16 : index
        %get3A_221 = tpu.vector_load %arg4[%get3A_218, %get3A_219, %get3A_220] {strides = array<i32>} : memref<2x200x128xf32, #tpu.memory_space<vmem>>, vector<1x1x16xf32>,
        %get3A_222 = vector.shape_cast %get3A_221 : vector<1x1x16xf32> to vector<16xf32>
        %add3A_223 = arith.addf %add3A_161, %get3A_222 : vector<16xf32>
        %get3A_224 = arith.constant 1 : i32
        %get3A_225 = arith.index_cast %get3A_224 : i32 to index
        %get3A_226 = arith.index_cast %add3A_209 : i32 to index
        %get3A_227 = arith.constant 32 : index
        %get3A_228 = tpu.vector_load %arg4[%get3A_225, %get3A_226, %get3A_227] {strides = array<i32>} : memref<2x200x128xf32, #tpu.memory_space<vmem>>, vector<1x1x16xf32>,
        %get3A_229 = vector.shape_cast %get3A_228 : vector<1x1x16xf32> to vector<16xf32>
        %add3A_230 = arith.addf %add3A_168, %get3A_229 : vector<16xf32>
        %get3A_231 = arith.constant 1 : i32
        %get3A_232 = arith.index_cast %get3A_231 : i32 to index
        %get3A_233 = arith.index_cast %add3A_209 : i32 to index
        %get3A_234 = arith.constant 48 : index
        %get3A_235 = tpu.vector_load %arg4[%get3A_232, %get3A_233, %get3A_234] {strides = array<i32>} : memref<2x200x128xf32, #tpu.memory_space<vmem>>, vector<1x1x16xf32>,
        %get3A_236 = vector.shape_cast %get3A_235 : vector<1x1x16xf32> to vector<16xf32>
        %add3A_237 = arith.addf %add3A_175, %get3A_236 : vector<16xf32>
        %get3A_238 = arith.constant 1 : i32
        %get3A_239 = arith.index_cast %get3A_238 : i32 to index
        %get3A_240 = arith.index_cast %add3A_209 : i32 to index
        %get3A_241 = arith.constant 64 : index
        %get3A_242 = tpu.vector_load %arg4[%get3A_239, %get3A_240, %get3A_241] {strides = array<i32>} : memref<2x200x128xf32, #tpu.memory_space<vmem>>, vector<1x1x16xf32>,
        %get3A_243 = vector.shape_cast %get3A_242 : vector<1x1x16xf32> to vector<16xf32>
        %add3A_244 = arith.addf %add3A_182, %get3A_243 : vector<16xf32>
        %get3A_245 = arith.constant 1 : i32
        %get3A_246 = arith.index_cast %get3A_245 : i32 to index
        %get3A_247 = arith.index_cast %add3A_209 : i32 to index
        %get3A_248 = arith.constant 80 : index
        %get3A_249 = tpu.vector_load %arg4[%get3A_246, %get3A_247, %get3A_248] {strides = array<i32>} : memref<2x200x128xf32, #tpu.memory_space<vmem>>, vector<1x1x16xf32>,
        %get3A_250 = vector.shape_cast %get3A_249 : vector<1x1x16xf32> to vector<16xf32>
        %add3A_251 = arith.addf %add3A_189, %get3A_250 : vector<16xf32>
        %get3A_252 = arith.constant 1 : i32
        %get3A_253 = arith.index_cast %get3A_252 : i32 to index
        %get3A_254 = arith.index_cast %add3A_209 : i32 to index
        %get3A_255 = arith.constant 96 : index
        %get3A_256 = tpu.vector_load %arg4[%get3A_253, %get3A_254, %get3A_255] {strides = array<i32>} : memref<2x200x128xf32, #tpu.memory_space<vmem>>, vector<1x1x16xf32>,
        %get3A_257 = vector.shape_cast %get3A_256 : vector<1x1x16xf32> to vector<16xf32>
        %add3A_258 = arith.addf %add3A_196, %get3A_257 : vector<16xf32>
        %get3A_259 = arith.constant 1 : i32
        %get3A_260 = arith.index_cast %get3A_259 : i32 to index
        %get3A_261 = arith.index_cast %add3A_209 : i32 to index
        %get3A_262 = arith.constant 112 : index
        %get3A_263 = tpu.vector_load %arg4[%get3A_260, %get3A_261, %get3A_262] {strides = array<i32>} : memref<2x200x128xf32, #tpu.memory_space<vmem>>, vector<1x1x16xf32>,
        %get3A_264 = vector.shape_cast %get3A_263 : vector<1x1x16xf32> to vector<16xf32>
        %add3A_265 = arith.addf %add3A_203, %get3A_264 : vector<16xf32>
        %scan3A_266 = arith.constant 2 : i32
        %scan3A_267 = arith.addi %scan3A_136, %scan3A_266 : i32
        %mul3A_268 = arith.constant 1 : i32
        %mul3A_269 = arith.muli %scan3A_267, %mul3A_268 : i32
        %add3A_270 = arith.constant 0 : i32
        %add3A_271 = arith.addi %add3A_270, %mul3A_269 : i32
        %get3A_272 = arith.constant 1 : i32
        %get3A_273 = arith.index_cast %get3A_272 : i32 to index
        %get3A_274 = arith.index_cast %add3A_271 : i32 to index
        %get3A_275 = arith.constant 0 : index
        %get3A_276 = tpu.vector_load %arg4[%get3A_273, %get3A_274, %get3A_275] {strides = array<i32>} : memref<2x200x128xf32, #tpu.memory_space<vmem>>, vector<1x1x16xf32>,
        %get3A_277 = vector.shape_cast %get3A_276 : vector<1x1x16xf32> to vector<16xf32>
        %add3A_278 = arith.addf %add3A_216, %get3A_277 : vector<16xf32>
        %get3A_279 = arith.constant 1 : i32
        %get3A_280 = arith.index_cast %get3A_279 : i32 to index
        %get3A_281 = arith.index_cast %add3A_271 : i32 to index
        %get3A_282 = arith.constant 16 : index
        %get3A_283 = tpu.vector_load %arg4[%get3A_280, %get3A_281, %get3A_282] {strides = array<i32>} : memref<2x200x128xf32, #tpu.memory_space<vmem>>, vector<1x1x16xf32>,
        %get3A_284 = vector.shape_cast %get3A_283 : vector<1x1x16xf32> to vector<16xf32>
        %add3A_285 = arith.addf %add3A_223, %get3A_284 : vector<16xf32>
        %get3A_286 = arith.constant 1 : i32
        %get3A_287 = arith.index_cast %get3A_286 : i32 to index
        %get3A_288 = arith.index_cast %add3A_271 : i32 to index
        %get3A_289 = arith.constant 32 : index
        %get3A_290 = tpu.vector_load %arg4[%get3A_287, %get3A_288, %get3A_289] {strides = array<i32>} : memref<2x200x128xf32, #tpu.memory_space<vmem>>, vector<1x1x16xf32>,
        %get3A_291 = vector.shape_cast %get3A_290 : vector<1x1x16xf32> to vector<16xf32>
        %add3A_292 = arith.addf %add3A_230, %get3A_291 : vector<16xf32>
        %get3A_293 = arith.constant 1 : i32
        %get3A_294 = arith.index_cast %get3A_293 : i32 to index
        %get3A_295 = arith.index_cast %add3A_271 : i32 to index
        %get3A_296 = arith.constant 48 : index
        %get3A_297 = tpu.vector_load %arg4[%get3A_294, %get3A_295, %get3A_296] {strides = array<i32>} : memref<2x200x128xf32, #tpu.memory_space<vmem>>, vector<1x1x16xf32>,
        %get3A_298 = vector.shape_cast %get3A_297 : vector<1x1x16xf32> to vector<16xf32>
        %add3A_299 = arith.addf %add3A_237, %get3A_298 : vector<16xf32>
        %get3A_300 = arith.constant 1 : i32
        %get3A_301 = arith.index_cast %get3A_300 : i32 to index
        %get3A_302 = arith.index_cast %add3A_271 : i32 to index
        %get3A_303 = arith.constant 64 : index
        %get3A_304 = tpu.vector_load %arg4[%get3A_301, %get3A_302, %get3A_303] {strides = array<i32>} : memref<2x200x128xf32, #tpu.memory_space<vmem>>, vector<1x1x16xf32>,
        %get3A_305 = vector.shape_cast %get3A_304 : vector<1x1x16xf32> to vector<16xf32>
        %add3A_306 = arith.addf %add3A_244, %get3A_305 : vector<16xf32>
        %get3A_307 = arith.constant 1 : i32
        %get3A_308 = arith.index_cast %get3A_307 : i32 to index
        %get3A_309 = arith.index_cast %add3A_271 : i32 to index
        %get3A_310 = arith.constant 80 : index
        %get3A_311 = tpu.vector_load %arg4[%get3A_308, %get3A_309, %get3A_310] {strides = array<i32>} : memref<2x200x128xf32, #tpu.memory_space<vmem>>, vector<1x1x16xf32>,
        %get3A_312 = vector.shape_cast %get3A_311 : vector<1x1x16xf32> to vector<16xf32>
        %add3A_313 = arith.addf %add3A_251, %get3A_312 : vector<16xf32>
        %get3A_314 = arith.constant 1 : i32
        %get3A_315 = arith.index_cast %get3A_314 : i32 to index
        %get3A_316 = arith.index_cast %add3A_271 : i32 to index
        %get3A_317 = arith.constant 96 : index
        %get3A_318 = tpu.vector_load %arg4[%get3A_315, %get3A_316, %get3A_317] {strides = array<i32>} : memref<2x200x128xf32, #tpu.memory_space<vmem>>, vector<1x1x16xf32>,
        %get3A_319 = vector.shape_cast %get3A_318 : vector<1x1x16xf32> to vector<16xf32>
        %add3A_320 = arith.addf %add3A_258, %get3A_319 : vector<16xf32>
        %get3A_321 = arith.constant 1 : i32
        %get3A_322 = arith.index_cast %get3A_321 : i32 to index
        %get3A_323 = arith.index_cast %add3A_271 : i32 to index
        %get3A_324 = arith.constant 112 : index
        %get3A_325 = tpu.vector_load %arg4[%get3A_322, %get3A_323, %get3A_324] {strides = array<i32>} : memref<2x200x128xf32, #tpu.memory_space<vmem>>, vector<1x1x16xf32>,
        %get3A_326 = vector.shape_cast %get3A_325 : vector<1x1x16xf32> to vector<16xf32>
        %add3A_327 = arith.addf %add3A_265, %get3A_326 : vector<16xf32>
        %scan3A_328 = arith.constant 3 : i32
        %scan3A_329 = arith.addi %scan3A_136, %scan3A_328 : i32
        %mul3A_330 = arith.constant 1 : i32
        %mul3A_331 = arith.muli %scan3A_329, %mul3A_330 : i32
        %add3A_332 = arith.constant 0 : i32
        %add3A_333 = arith.addi %add3A_332, %mul3A_331 : i32
        %get3A_334 = arith.constant 1 : i32
        %get3A_335 = arith.index_cast %get3A_334 : i32 to index
        %get3A_336 = arith.index_cast %add3A_333 : i32 to index
        %get3A_337 = arith.constant 0 : index
        %get3A_338 = tpu.vector_load %arg4[%get3A_335, %get3A_336, %get3A_337] {strides = array<i32>} : memref<2x200x128xf32, #tpu.memory_space<vmem>>, vector<1x1x16xf32>,
        %get3A_339 = vector.shape_cast %get3A_338 : vector<1x1x16xf32> to vector<16xf32>
        %add3A_340 = arith.addf %add3A_278, %get3A_339 : vector<16xf32>
        %get3A_341 = arith.constant 1 : i32
        %get3A_342 = arith.index_cast %get3A_341 : i32 to index
        %get3A_343 = arith.index_cast %add3A_333 : i32 to index
        %get3A_344 = arith.constant 16 : index
        %get3A_345 = tpu.vector_load %arg4[%get3A_342, %get3A_343, %get3A_344] {strides = array<i32>} : memref<2x200x128xf32, #tpu.memory_space<vmem>>, vector<1x1x16xf32>,
        %get3A_346 = vector.shape_cast %get3A_345 : vector<1x1x16xf32> to vector<16xf32>
        %add3A_347 = arith.addf %add3A_285, %get3A_346 : vector<16xf32>
        %get3A_348 = arith.constant 1 : i32
        %get3A_349 = arith.index_cast %get3A_348 : i32 to index
        %get3A_350 = arith.index_cast %add3A_333 : i32 to index
        %get3A_351 = arith.constant 32 : index
        %get3A_352 = tpu.vector_load %arg4[%get3A_349, %get3A_350, %get3A_351] {strides = array<i32>} : memref<2x200x128xf32, #tpu.memory_space<vmem>>, vector<1x1x16xf32>,
        %get3A_353 = vector.shape_cast %get3A_352 : vector<1x1x16xf32> to vector<16xf32>
        %add3A_354 = arith.addf %add3A_292, %get3A_353 : vector<16xf32>
        %get3A_355 = arith.constant 1 : i32
        %get3A_356 = arith.index_cast %get3A_355 : i32 to index
        %get3A_357 = arith.index_cast %add3A_333 : i32 to index
        %get3A_358 = arith.constant 48 : index
        %get3A_359 = tpu.vector_load %arg4[%get3A_356, %get3A_357, %get3A_358] {strides = array<i32>} : memref<2x200x128xf32, #tpu.memory_space<vmem>>, vector<1x1x16xf32>,
        %get3A_360 = vector.shape_cast %get3A_359 : vector<1x1x16xf32> to vector<16xf32>
        %add3A_361 = arith.addf %add3A_299, %get3A_360 : vector<16xf32>
        %get3A_362 = arith.constant 1 : i32
        %get3A_363 = arith.index_cast %get3A_362 : i32 to index
        %get3A_364 = arith.index_cast %add3A_333 : i32 to index
        %get3A_365 = arith.constant 64 : index
        %get3A_366 = tpu.vector_load %arg4[%get3A_363, %get3A_364, %get3A_365] {strides = array<i32>} : memref<2x200x128xf32, #tpu.memory_space<vmem>>, vector<1x1x16xf32>,
        %get3A_367 = vector.shape_cast %get3A_366 : vector<1x1x16xf32> to vector<16xf32>
        %add3A_368 = arith.addf %add3A_306, %get3A_367 : vector<16xf32>
        %get3A_369 = arith.constant 1 : i32
        %get3A_370 = arith.index_cast %get3A_369 : i32 to index
        %get3A_371 = arith.index_cast %add3A_333 : i32 to index
        %get3A_372 = arith.constant 80 : index
        %get3A_373 = tpu.vector_load %arg4[%get3A_370, %get3A_371, %get3A_372] {strides = array<i32>} : memref<2x200x128xf32, #tpu.memory_space<vmem>>, vector<1x1x16xf32>,
        %get3A_374 = vector.shape_cast %get3A_373 : vector<1x1x16xf32> to vector<16xf32>
        %add3A_375 = arith.addf %add3A_313, %get3A_374 : vector<16xf32>
        %get3A_376 = arith.constant 1 : i32
        %get3A_377 = arith.index_cast %get3A_376 : i32 to index
        %get3A_378 = arith.index_cast %add3A_333 : i32 to index
        %get3A_379 = arith.constant 96 : index
        %get3A_380 = tpu.vector_load %arg4[%get3A_377, %get3A_378, %get3A_379] {strides = array<i32>} : memref<2x200x128xf32, #tpu.memory_space<vmem>>, vector<1x1x16xf32>,
        %get3A_381 = vector.shape_cast %get3A_380 : vector<1x1x16xf32> to vector<16xf32>
        %add3A_382 = arith.addf %add3A_320, %get3A_381 : vector<16xf32>
        %get3A_383 = arith.constant 1 : i32
        %get3A_384 = arith.index_cast %get3A_383 : i32 to index
        %get3A_385 = arith.index_cast %add3A_333 : i32 to index
        %get3A_386 = arith.constant 112 : index
        %get3A_387 = tpu.vector_load %arg4[%get3A_384, %get3A_385, %get3A_386] {strides = array<i32>} : memref<2x200x128xf32, #tpu.memory_space<vmem>>, vector<1x1x16xf32>,
        %get3A_388 = vector.shape_cast %get3A_387 : vector<1x1x16xf32> to vector<16xf32>
        %add3A_389 = arith.addf %add3A_327, %get3A_388 : vector<16xf32>
        scf.yield %add3A_340, %add3A_347, %add3A_354, %add3A_361, %add3A_368, %add3A_375, %add3A_382, %add3A_389 : vector<16xf32>, vector<16xf32>, vector<16xf32>, vector<16xf32>, vector<16xf32>, vector<16xf32>, vector<16xf32>, vector<16xf32>
      }
      %scan3A_128 = arith.constant 200 : i32
      %add3A_129 = arith.constant 1 : i32
      %add3A_130 = arith.addi %add3A_83, %add3A_129 : i32
      %lt3A_131 = arith.constant 15 : i32
      %lt3A_132 = arith.cmpi slt, %add3A_130, %lt3A_131 : i32
      %convert_element_type3A_133 = arith.extui %lt3A_132 : i1 to i32
      %cond3A_134 = arith.constant 0 : i32
      %cond3A_135 = arith.cmpi ne, %convert_element_type3A_133, %cond3A_134 : i32
      scf.if %cond3A_135 {
        %add3A_136 = arith.constant 1 : i32
        %add3A_137 = arith.addi %add3A_83, %add3A_136 : i32
        %mul3A_138 = arith.constant 2 : i32
        %mul3A_139 = arith.muli %mul3A_138, %add3A_137 : i32
        %add3A_140 = arith.constant 1 : i32
        %add3A_141 = arith.addi %mul3A_139, %add3A_140 : i32
        %mul3A_142 = arith.constant 200 : i32
        %mul3A_143 = arith.muli %add3A_141, %mul3A_142 : i32
        %add3A_144 = arith.addi %mul3A_2, %mul3A_143 : i32
        %dma_start3A_145 = arith.constant 1 : i32
        %dma_start3A_146 = arith.constant 0 : i32
        %dma_start3A_147 = arith.constant 0 : i32
        %dma_start3A_148 = tpu.memref_slice %arg4[%dma_start3A_145, %dma_start3A_146, %dma_start3A_147] : memref<2x200x128xf32, #tpu.memory_space<vmem>> -> memref<1x200x128xf32, #tpu.memory_space<vmem>>
        %dma_start3A_149 = tpu.memref_squeeze %dma_start3A_148 : memref<1x200x128xf32, #tpu.memory_space<vmem>> -> memref<200x128xf32, #tpu.memory_space<vmem>>
        %dma_start3A_150 = arith.constant 0 : i32
        %dma_start3A_151 = tpu.memref_slice %arg2[%add3A_144, %dma_start3A_150] : memref<320000x128xf32, #tpu.memory_space<hbm>> -> memref<200x128xf32, #tpu.memory_space<hbm>>
        %dma_start3A_152 = arith.constant 0 : i32
        %dma_start3A_153 = arith.constant 0 : i32
        %dma_start3A_154 = tpu.memref_slice %arg4[%dma_start3A_145, %dma_start3A_152, %dma_start3A_153] : memref<2x200x128xf32, #tpu.memory_space<vmem>> -> memref<1x200x128xf32, #tpu.memory_space<vmem>>
        %dma_start3A_155 = tpu.memref_squeeze %dma_start3A_154 : memref<1x200x128xf32, #tpu.memory_space<vmem>> -> memref<200x128xf32, #tpu.memory_space<vmem>>
        %dma_start3A_156 = arith.constant 0 : i32
        %dma_start3A_157 = tpu.memref_slice %arg2[%add3A_144, %dma_start3A_156] : memref<320000x128xf32, #tpu.memory_space<hbm>> -> memref<200x128xf32, #tpu.memory_space<hbm>>
        tpu.enqueue_dma source(%dma_start3A_157 : memref<200x128xf32, #tpu.memory_space<hbm>>) target(%dma_start3A_155 : memref<200x128xf32, #tpu.memory_space<vmem>>) target_semaphore(%arg7 : memref<!tpu.dma_semaphore, #tpu.memory_space<semaphore_mem>>)
      } else {
      }
      scf.yield %scan3A_127#0, %scan3A_127#1, %scan3A_127#2, %scan3A_127#3, %scan3A_127#4, %scan3A_127#5, %scan3A_127#6, %scan3A_127#7 : vector<16xf32>, vector<16xf32>, vector<16xf32>, vector<16xf32>, vector<16xf32>, vector<16xf32>, vector<16xf32>, vector<16xf32>
    }
    %scan3A_37 = arith.constant 15 : i32
    %swap3A = arith.constant 0 : index
    %swap3A_38 = tpu.vector_load %arg5[%swap3A] {strides = array<i32>} : memref<128xf32, #tpu.memory_space<vmem>>, vector<16xf32>,
    %swap3A_39 = vector.shape_cast %swap3A_38 : vector<16xf32> to vector<16xf32>
    %swap3A_40 = vector.shape_cast %scan3A_36#0 : vector<16xf32> to vector<16xf32>
    tpu.vector_store %arg5[%swap3A], %swap3A_40 {strides = array<i32>} : memref<128xf32, #tpu.memory_space<vmem>>, vector<16xf32>,
    %swap3A_41 = arith.constant 16 : index
    %swap3A_42 = tpu.vector_load %arg5[%swap3A_41] {strides = array<i32>} : memref<128xf32, #tpu.memory_space<vmem>>, vector<16xf32>,
    %swap3A_43 = vector.shape_cast %swap3A_42 : vector<16xf32> to vector<16xf32>
    %swap3A_44 = vector.shape_cast %scan3A_36#1 : vector<16xf32> to vector<16xf32>
    tpu.vector_store %arg5[%swap3A_41], %swap3A_44 {strides = array<i32>} : memref<128xf32, #tpu.memory_space<vmem>>, vector<16xf32>,
    %swap3A_45 = arith.constant 32 : index
    %swap3A_46 = tpu.vector_load %arg5[%swap3A_45] {strides = array<i32>} : memref<128xf32, #tpu.memory_space<vmem>>, vector<16xf32>,
    %swap3A_47 = vector.shape_cast %swap3A_46 : vector<16xf32> to vector<16xf32>
    %swap3A_48 = vector.shape_cast %scan3A_36#2 : vector<16xf32> to vector<16xf32>
    tpu.vector_store %arg5[%swap3A_45], %swap3A_48 {strides = array<i32>} : memref<128xf32, #tpu.memory_space<vmem>>, vector<16xf32>,
    %swap3A_49 = arith.constant 48 : index
    %swap3A_50 = tpu.vector_load %arg5[%swap3A_49] {strides = array<i32>} : memref<128xf32, #tpu.memory_space<vmem>>, vector<16xf32>,
    %swap3A_51 = vector.shape_cast %swap3A_50 : vector<16xf32> to vector<16xf32>
    %swap3A_52 = vector.shape_cast %scan3A_36#3 : vector<16xf32> to vector<16xf32>
    tpu.vector_store %arg5[%swap3A_49], %swap3A_52 {strides = array<i32>} : memref<128xf32, #tpu.memory_space<vmem>>, vector<16xf32>,
    %swap3A_53 = arith.constant 64 : index
    %swap3A_54 = tpu.vector_load %arg5[%swap3A_53] {strides = array<i32>} : memref<128xf32, #tpu.memory_space<vmem>>, vector<16xf32>,
    %swap3A_55 = vector.shape_cast %swap3A_54 : vector<16xf32> to vector<16xf32>
    %swap3A_56 = vector.shape_cast %scan3A_36#4 : vector<16xf32> to vector<16xf32>
    tpu.vector_store %arg5[%swap3A_53], %swap3A_56 {strides = array<i32>} : memref<128xf32, #tpu.memory_space<vmem>>, vector<16xf32>,
    %swap3A_57 = arith.constant 80 : index
    %swap3A_58 = tpu.vector_load %arg5[%swap3A_57] {strides = array<i32>} : memref<128xf32, #tpu.memory_space<vmem>>, vector<16xf32>,
    %swap3A_59 = vector.shape_cast %swap3A_58 : vector<16xf32> to vector<16xf32>
    %swap3A_60 = vector.shape_cast %scan3A_36#5 : vector<16xf32> to vector<16xf32>
    tpu.vector_store %arg5[%swap3A_57], %swap3A_60 {strides = array<i32>} : memref<128xf32, #tpu.memory_space<vmem>>, vector<16xf32>,
    %swap3A_61 = arith.constant 96 : index
    %swap3A_62 = tpu.vector_load %arg5[%swap3A_61] {strides = array<i32>} : memref<128xf32, #tpu.memory_space<vmem>>, vector<16xf32>,
    %swap3A_63 = vector.shape_cast %swap3A_62 : vector<16xf32> to vector<16xf32>
    %swap3A_64 = vector.shape_cast %scan3A_36#6 : vector<16xf32> to vector<16xf32>
    tpu.vector_store %arg5[%swap3A_61], %swap3A_64 {strides = array<i32>} : memref<128xf32, #tpu.memory_space<vmem>>, vector<16xf32>,
    %swap3A_65 = arith.constant 112 : index
    %swap3A_66 = tpu.vector_load %arg5[%swap3A_65] {strides = array<i32>} : memref<128xf32, #tpu.memory_space<vmem>>, vector<16xf32>,
    %swap3A_67 = vector.shape_cast %swap3A_66 : vector<16xf32> to vector<16xf32>
    %swap3A_68 = vector.shape_cast %scan3A_36#7 : vector<16xf32> to vector<16xf32>
    tpu.vector_store %arg5[%swap3A_65], %swap3A_68 {strides = array<i32>} : memref<128xf32, #tpu.memory_space<vmem>>, vector<16xf32>,
    %mul3A_69 = arith.constant 128 : i32
    %mul3A_70 = arith.muli %add3A, %mul3A_69 : i32
    "tpu.region"() ({
      %run_scoped3A = tpu.sem_alloc : memref<!tpu.dma_semaphore, #tpu.memory_space<semaphore_mem>>
      %dma_start3A_71 = tpu.memref_slice %arg3[%mul3A_70] : memref<4096xf32, #tpu.memory_space<hbm>> -> memref<128xf32, #tpu.memory_space<hbm>>
      %dma_start3A_72 = tpu.memref_slice %arg3[%mul3A_70] : memref<4096xf32, #tpu.memory_space<hbm>> -> memref<128xf32, #tpu.memory_space<hbm>>
      tpu.enqueue_dma source(%arg5 : memref<128xf32, #tpu.memory_space<vmem>>) target(%dma_start3A_72 : memref<128xf32, #tpu.memory_space<hbm>>) target_semaphore(%run_scoped3A : memref<!tpu.dma_semaphore, #tpu.memory_space<semaphore_mem>>)
      %dma_wait3A = tpu.memref_slice %arg3[%mul3A_70] : memref<4096xf32, #tpu.memory_space<hbm>> -> memref<128xf32, #tpu.memory_space<hbm>>
      %dma_wait3A_73 = tpu.memref_slice %arg3[%mul3A_70] : memref<4096xf32, #tpu.memory_space<hbm>> -> memref<128xf32, #tpu.memory_space<hbm>>
      tpu.wait_dma2 semaphore(%run_scoped3A : memref<!tpu.dma_semaphore, #tpu.memory_space<semaphore_mem>>) src(%arg5 : memref<128xf32, #tpu.memory_space<vmem>>) dst(%dma_wait3A_73 : memref<128xf32, #tpu.memory_space<hbm>>)
      tpu.yield
    }) : () -> ()
    return
  }
}

module attributes {stable_mosaic.version = 14 : i64} {
  func.func @_sum_tc_body(%arg0: i32, %arg1: memref<6400x128xf32, #tpu.memory_space<vmem>>, %arg2: memref<1x128xf32, #tpu.memory_space<vmem>>) attributes {dimension_semantics = [#tpu.dimension_semantics<arbitrary>], iteration_bounds = array<i64: 20>, scalar_prefetch = 0 : i64, scratch_operands = 0 : i64, tpu.core_type = #tpu.core_type<tc>, window_params = [{transform_indices = @transform_0, window_bounds = array<i64: 6400, 128>}, {pipeline_mode = #tpu.pipeline_mode<synchronous>, transform_indices = @transform_1, window_bounds = array<i64: 1, 128>}]} {
    %eq3A = arith.constant 0 : i32
    %eq3A_0 = arith.cmpi eq, %arg0, %eq3A : i32
    %convert_element_type3A = arith.extui %eq3A_0 : i1 to i32
    %cond3A = arith.constant 0 : i32
    %cond3A_1 = arith.cmpi ne, %convert_element_type3A, %cond3A : i32
    scf.if %cond3A_1 {
      %broadcast_in_dim3A_10 = arith.constant 0.000000e+00 : f32
      %broadcast_in_dim3A_11 = vector.broadcast %broadcast_in_dim3A_10 : f32 to vector<1x128xf32>
      %swap3A_12 = arith.constant 0 : index
      %swap3A_13 = arith.constant 0 : index
      %swap3A_14 = vector.load %arg2[%swap3A_12, %swap3A_13] : memref<1x128xf32, #tpu.memory_space<vmem>>, vector<1x128xf32>
      tpu.vector_store %arg2[%swap3A_12, %swap3A_13], %broadcast_in_dim3A_11 {strides = array<i32>} : memref<1x128xf32, #tpu.memory_space<vmem>>, vector<1x128xf32>,
    } else {
    }
    %get3A = arith.constant 0 : index
    %get3A_2 = arith.constant 0 : index
    %get3A_3 = vector.load %arg2[%get3A, %get3A_2] : memref<1x128xf32, #tpu.memory_space<vmem>>, vector<1x128xf32>
    %get3A_4 = arith.constant 0 : index
    %get3A_5 = arith.constant 0 : index
    %get3A_6 = vector.load %arg1[%get3A_4, %get3A_5] : memref<6400x128xf32, #tpu.memory_space<vmem>>, vector<6400x128xf32>
    %reduce_sum3A = arith.constant dense<0.000000e+00> : vector<128xf32>
    %reduce_sum3A_7 = vector.multi_reduction <add>, %get3A_6, %reduce_sum3A [0] : vector<6400x128xf32> to vector<128xf32>
    %broadcast_in_dim3A = vector.shape_cast %reduce_sum3A_7 : vector<128xf32> to vector<1x128xf32>
    %add3A = arith.addf %get3A_3, %broadcast_in_dim3A : vector<1x128xf32>
    %swap3A = arith.constant 0 : index
    %swap3A_8 = arith.constant 0 : index
    %swap3A_9 = vector.load %arg2[%swap3A, %swap3A_8] : memref<1x128xf32, #tpu.memory_space<vmem>>, vector<1x128xf32>
    tpu.vector_store %arg2[%swap3A, %swap3A_8], %add3A {strides = array<i32>} : memref<1x128xf32, #tpu.memory_space<vmem>>, vector<1x128xf32>,
    return
  }
  func.func @transform_0(%arg0: i32) -> (i32, i32) {
    %add3A = arith.constant 30 : i32
    %add3A_0 = arith.addi %add3A, %arg0 : i32
    %c0_i32 = arith.constant 0 : i32
    %c0_i32_1 = arith.constant 0 : i32
    return %add3A_0, %c0_i32 : i32, i32
  }
  func.func @transform_1(%arg0: i32) -> (i32, i32) {
    %c0_i32 = arith.constant 0 : i32
    %c0_i32_0 = arith.constant 0 : i32
    %c0_i32_1 = arith.constant 0 : i32
    return %c0_i32, %c0_i32_0 : i32, i32
  }
}

module attributes {stable_mosaic.version = 14 : i64} {
  func.func @_sub_tc_body(%arg0: i32, %arg1: memref<32x128xf32, #tpu.memory_space<vmem>>, %arg2: memref<1x128xf32, #tpu.memory_space<vmem>>, %arg3: memref<16000x128xf32, #tpu.memory_space<vmem>>, %arg4: memref<16000x128xf32, #tpu.memory_space<vmem>>) attributes {dimension_semantics = [#tpu.dimension_semantics<arbitrary>], iteration_bounds = array<i64: 20>, scalar_prefetch = 0 : i64, scratch_operands = 0 : i64, tpu.core_type = #tpu.core_type<tc>, window_params = [{pipeline_mode = #tpu.pipeline_mode<synchronous>, transform_indices = @transform_0, window_bounds = array<i64: 32, 128>}, {pipeline_mode = #tpu.pipeline_mode<synchronous>, transform_indices = @transform_1, window_bounds = array<i64: 1, 128>}, {transform_indices = @transform_2, window_bounds = array<i64: 16000, 128>}, {transform_indices = @transform_3, window_bounds = array<i64: 16000, 128>}]} {
    %get3A = arith.constant 0 : index
    %get3A_0 = arith.constant 0 : index
    %get3A_1 = vector.load %arg1[%get3A, %get3A_0] : memref<32x128xf32, #tpu.memory_space<vmem>>, vector<32x128xf32>
    %reduce_sum3A = arith.constant dense<0.000000e+00> : vector<128xf32>
    %reduce_sum3A_2 = vector.multi_reduction <add>, %get3A_1, %reduce_sum3A [0] : vector<32x128xf32> to vector<128xf32>
    %broadcast_in_dim3A = vector.shape_cast %reduce_sum3A_2 : vector<128xf32> to vector<1x128xf32>
    %get3A_3 = arith.constant 0 : index
    %get3A_4 = arith.constant 0 : index
    %get3A_5 = vector.load %arg2[%get3A_3, %get3A_4] : memref<1x128xf32, #tpu.memory_space<vmem>>, vector<1x128xf32>
    %add3A = arith.addf %broadcast_in_dim3A, %get3A_5 : vector<1x128xf32>
    %get3A_6 = arith.constant 0 : index
    %get3A_7 = arith.constant 0 : index
    %get3A_8 = vector.load %arg3[%get3A_6, %get3A_7] : memref<16000x128xf32, #tpu.memory_space<vmem>>, vector<16000x128xf32>
    %mul3A = arith.constant 3.125000e-06 : f32
    %mul3A_9 = vector.broadcast %mul3A : f32 to vector<1x128xf32>
    %mul3A_10 = arith.mulf %add3A, %mul3A_9 : vector<1x128xf32>
    %sub3A = vector.broadcast %mul3A_10 : vector<1x128xf32> to vector<16000x128xf32>
    %sub3A_11 = arith.subf %get3A_8, %sub3A : vector<16000x128xf32>
    %swap3A = arith.constant 0 : index
    %swap3A_12 = arith.constant 0 : index
    %swap3A_13 = vector.load %arg4[%swap3A, %swap3A_12] : memref<16000x128xf32, #tpu.memory_space<vmem>>, vector<16000x128xf32>
    tpu.vector_store %arg4[%swap3A, %swap3A_12], %sub3A_11 {strides = array<i32>} : memref<16000x128xf32, #tpu.memory_space<vmem>>, vector<16000x128xf32>,
    return
  }
  func.func @transform_0(%arg0: i32) -> (i32, i32) {
    %c0_i32 = arith.constant 0 : i32
    %c0_i32_0 = arith.constant 0 : i32
    %c0_i32_1 = arith.constant 0 : i32
    return %c0_i32, %c0_i32_0 : i32, i32
  }
  func.func @transform_1(%arg0: i32) -> (i32, i32) {
    %c0_i32 = arith.constant 0 : i32
    %c0_i32_0 = arith.constant 0 : i32
    %c0_i32_1 = arith.constant 0 : i32
    return %c0_i32, %c0_i32_0 : i32, i32
  }
  func.func @transform_2(%arg0: i32) -> (i32, i32) {
    %c0_i32 = arith.constant 0 : i32
    %c0_i32_0 = arith.constant 0 : i32
    return %arg0, %c0_i32 : i32, i32
  }
  func.func @transform_3(%arg0: i32) -> (i32, i32) {
    %c0_i32 = arith.constant 0 : i32
    %c0_i32_0 = arith.constant 0 : i32
    return %arg0, %c0_i32 : i32, i32
  }
}

</mosaic_0001>

<sc_bundles>
// kernel: kernel.5.cloned.1.call-start
scs
__scs_entry_jumppad:
0x0: {  	(pc) =	sbr.rel $0x88, $3  }
0x1: {  	(tag) =	ssettag $0x0;
	lr =	simm.s32 $0x1  }
0x2: {  	[smem:$0x3FA0] =	sst lr;
	_ =	strace $0xD0000000  }
0x3: {  	_ = 	snop  }
0x4: {  	_ = 	snop  }
0x5: {  	_ = 	snop  }
0x6: {  	_ = 	snop  }
0x7: {  	_ = 	snop  }
__scs_overlays_trampoline_lowered:
0x8: {  	[smem:$0x3FAF] =	sst s0  }
0x9: {  	[smem:$0x3FB0] =	sst s1  }
0xa: {  	[smem:$0x3FB1] =	sst s2  }
0xb: {  	[smem:$0x3FB2] =	sst s3  }
0xc: {  	[smem:$0x3FB3] =	sst s4  }
0xd: {  	[smem:$0x3FB4] =	sst s5  }
0xe: {  	[smem:$0x3FB5] =	sst s6  }
0xf: {  	[smem:$0x3FB6] =	sst s7  }
0x10: {  	[smem:$0x3FB7] =	sst s8  }
0x11: {  	[smem:$0x3FB8] =	sst s9;
	s0 =	simm.s32 @!p0 $0x0  }
0x12: {  	s1 =	sld [smem:$0x3F9E];
	s0 =	simm.s32 @p0 $0x1  }
0x13: {  	[smem:$0x3FB9] =	sst s0;
	s0 =	simm.s32 @!p1 $0x0  }
0x14: {  	s2 =	sld [smem:$0x3F9D];
	s0 =	simm.s32 @p1 $0x1  }
0x15: {  	[smem:$0x3FBA] =	sst s0;
	s0 =	simm.s32 @!p2 $0x0  }
0x16: {  	s3 =	sld [smem:$0x3FDB];
	s0 =	simm.s32 @p2 $0x1  }
0x17: {  	s4 =	simm.s32 $0x1BF5;
	[smem:$0x3FBC] =	sst s0  }
0x18: {  	s0 =	sld [smem:$0x3F9F];
	_ =	swait.ge [sflag:s4], $0x0  }
0x19: {  	s7 =	sld [smem:$0x3FA0]  }
0x1a: {  	s8 =	sadd.s32 $0xFFFFE003, lr  }
0x1b: {  	s9 =	sadd.s32 $0xFFFFFEF7, lr;
	s5 =	simm.s32 $0xFFFFFFFF;
	p2 =	slt.u32 s8, $0xFFFFF086  }
0x1c: {  	p1 =	slt.u32 s9, $0xF7A;
	s5 =	simm.s32 @!p2 $0x0  }
0x1d: {  	s5 =	simm.s32 @p1 $0x1;
	p0 =	seq.s32 s7, s2  }
0x1e: {  	s7 =	smul.u32 @!p0 $0xF7A, s2;
	p2 =	seq.s32 @!p0 s5, $0x0  }
0x1f: {  	s9 =	smul.u32 $0xF7A, s1;
	s8 =	simm.s32 @!p0 $0x1BF5;
	p2 =	por !p2, p0  }
0x20: {  	[sflag:s8] =	ssyncset.s32 @!p0 $0xFFFFF086;
	s6 =	sadd.s32 @!p0 s3, s7;
	s7 =	simm.s32 @!p0 $0x108  }
0x21: {  	s3 =	sadd.s32 s3, s9;
	s6 =	sadd.s32 @!p0 $0x88, s6;
	s7 =	simm.s32 @p2 $0x1082  }
0x22: {  	[simem:s7], [sflag:s8] =	dma.local @!p0 [hbm:s6], $0xF7A  }
0x23: {  	s9 =	sor.u32 $0xD0000000, s2;
	s6 =	simm.s32 $0x108;
	_ =	swait.ge @!p0 [sflag:s8], $0x0  }
0x24: {  	s3 =	sadd.s32 $0x88, s3;
	s6 =	simm.s32 @!p1 $0x1082;
	[sflag:s4] =	ssyncset.s32 $0xFFFFF086  }
0x25: {  	[simem:s6], [sflag:s4] =	dma.local [hbm:s3], $0xF7A  }
0x26: {  	[smem:$0x3FA0] =	sst s1;
	(tag) =	ssettag s2;
	_ =	strace s9  }
0x27: {  	s1 =	sld [smem:$0x3FB0]  }
0x28: {  	s2 =	sld [smem:$0x3FB1]  }
0x29: {  	s4 =	sld [smem:$0x3FB3]  }
0x2a: {  	p0 =	seq.s32 s5, $0x0;
	s5 =	sld [smem:$0x3FB4]  }
0x2b: {  	s6 =	sld [smem:$0x3FB5]  }
0x2c: {  	s7 =	sld [smem:$0x3FB6]  }
0x2d: {  	s3 =	simm.s32 $0x108;
	s8 =	sld [smem:$0x3FB7]  }
0x2e: {  	s3 =	simm.s32 @!p0 $0x1082;
	s9 =	sld [smem:$0x3FB8]  }
0x2f: {  	lr =	sadd.s32 s0, s3;
	s0 =	sld [smem:$0x3FAF]  }
0x30: {  	s3 =	sld [smem:$0x3FB2]  }
0x31: {  	[smem:$0x3FBB] =	sst s10  }
0x32: {  	s10 =	sld [smem:$0x3FB9];
	_ =	sdelay $0x3  }
0x33: {  	p0 =	seq.s32 s10, $0x1;
	s10 =	sld [smem:$0x3FBB];
	_ =	sdelay $0x3  }
0x34: {  	[smem:$0x3FBB] =	sst s10  }
0x35: {  	s10 =	sld [smem:$0x3FBA];
	_ =	sdelay $0x3  }
0x36: {  	p1 =	seq.s32 s10, $0x1;
	s10 =	sld [smem:$0x3FBB];
	_ =	sdelay $0x3  }
0x37: {  	[smem:$0x3FBB] =	sst s10  }
0x38: {  	s10 =	sld [smem:$0x3FBC]  }
0x39: {  	_ = 	snop;
	(pc) =	sbr.ind lr, $3  }
0x3a: {  	_ = 	snop  }
0x3b: {  	_ = 	snop  }
0x3c: {  	p2 =	seq.s32 s10, $0x1;
	s10 =	sld [smem:$0x3FBB]  }
0x3d: {  	_ =	shalt  }
0x3e: {  	_ =	shalt  }
0x3f: {  	_ =	shalt  }
0x40: {  	_ =	shalt  }
0x41: {  	_ =	shalt  }
0x42: {  	_ =	shalt  }
0x43: {  	_ =	shalt  }
0x44: {  	_ =	shalt  }
0x45: {  	_ =	shalt  }
0x46: {  	_ =	shalt  }
0x47: {  	_ =	shalt  }
0x48: {  	_ =	shalt  }
0x49: {  	_ =	shalt  }
0x4a: {  	_ =	shalt  }
0x4b: {  	_ =	shalt  }
0x4c: {  	_ =	shalt  }
0x4d: {  	_ =	shalt  }
0x4e: {  	_ =	shalt  }
0x4f: {  	_ =	shalt  }
0x50: {  	_ =	shalt  }
0x51: {  	_ =	shalt  }
0x52: {  	_ =	shalt  }
0x53: {  	_ =	shalt  }
0x54: {  	_ =	shalt  }
0x55: {  	_ =	shalt  }
0x56: {  	_ =	shalt  }
0x57: {  	_ =	shalt  }
0x58: {  	_ =	shalt  }
0x59: {  	_ =	shalt  }
0x5a: {  	_ =	shalt  }
0x5b: {  	_ =	shalt  }
0x5c: {  	_ =	shalt  }
0x5d: {  	_ =	shalt  }
0x5e: {  	_ =	shalt  }
0x5f: {  	_ =	shalt  }
0x60: {  	_ =	shalt  }
0x61: {  	_ =	shalt  }
0x62: {  	_ =	shalt  }
0x63: {  	_ =	shalt  }
0x64: {  	_ =	shalt  }
0x65: {  	_ =	shalt  }
0x66: {  	_ =	shalt  }
0x67: {  	_ =	shalt  }
0x68: {  	_ =	shalt  }
0x69: {  	_ =	shalt  }
0x6a: {  	_ =	shalt  }
0x6b: {  	_ =	shalt  }
0x6c: {  	_ =	shalt  }
0x6d: {  	_ =	shalt  }
0x6e: {  	_ =	shalt  }
0x6f: {  	_ =	shalt  }
0x70: {  	_ =	shalt  }
0x71: {  	_ =	shalt  }
0x72: {  	_ =	shalt  }
0x73: {  	_ =	shalt  }
0x74: {  	_ =	shalt  }
0x75: {  	_ =	shalt  }
0x76: {  	_ =	shalt  }
0x77: {  	_ =	shalt  }
0x78: {  	_ =	shalt  }
0x79: {  	_ =	shalt  }
0x7a: {  	_ =	shalt  }
0x7b: {  	_ =	shalt  }
0x7c: {  	_ =	shalt  }
0x7d: {  	_ =	shalt  }
0x7e: {  	_ =	shalt  }
0x7f: {  	_ =	shalt  }
0x80: {  	_ =	shalt  }
0x81: {  	_ =	shalt  }
0x82: {  	_ =	shalt  }
0x83: {  	_ =	shalt  }
0x84: {  	_ =	shalt  }
0x85: {  	_ =	shalt  }
0x86: {  	_ =	shalt  }
0x87: {  	_ =	shalt  }
.Lfunc_end0:
.L_simem_size_0:
called_computation_lowered:
.L_overlay_start_0:
0x88: {  	s2 =	sld [smem:$0x3FD9]  }
0x89: {  	s3 =	sld [smem:$0x3FFE];
	_ =	sdelay $0x1  }
0x8a: {  	s1 =	srdreg.scid  }
0x8b: {  	s0 =	sand.u32 $0x1, s1  }
0x8c: {  	s18 =	sshll.u32 s0, $0xA;
	s2 =	sadd.s32 s3, s2  }
0x8d: {  	s2 =	sadd.s32 s2, s18  }
0x8e: {  	[smem:$0x3FC7] =	sst s2  }
0x8f: {  	_ = 	snop  }
0x90: {  	s2 =	sld [smem:$0x3FC9]  }
0x91: {  	s19 =	sld [smem:$0x3FD0];
	(tm) =	ssettm $0x1  }
0x92: {  	s4 =	sld [smem:$0x3FFB];
	_ =	sdelay $0x3  }
0x93: {  	_ =	strace s4  }
0x94: {  	s4 =	sld [smem:$0x3FFC];
	_ =	sdelay $0x3  }
0x95: {  	_ =	strace s4  }
0x96: {  	s4 =	sld [smem:$0x3FFD];
	_ =	sdelay $0x3  }
0x97: {  	_ =	strace s4  }
0x98: {  	_ =	strace $0x8FFFFFFF  }
0x99: {  	s20 =	sld [smem:$0x3FDB];
	_ =	sdelay $0x1  }
0x9a: {  	s5 =	simm.s32 $_scs_section_size  }
0x9b: {  	s6 =	simm.s32 $_size__tile_overlayer_lowered;
	s7 =	simm.s32 $_tile_overlayer_lowered  }
0x9c: {  	s23 =	simm.s32 $0x1BFF;
	s22 =	sshll.u32 s7, $0x1;
	s4 =	sadd.s32 s5, s20  }
0x9d: {  	s8 =	simm.s32 $0x0;
	s21 =	sshll.u32 s6, $0x1;
	s6 =	sadd.s32 s22, s4  }
0x9e: {  	[timem:s8], [sflag:s23] =	dma.local [hbm:s6], s21  }
0x9f: {  	_ =	swait.ge [sflag:s23], s21  }
0xa0: {  	s5 =	ssub.s32 $0x0, s21;
	[sflag:s23] =	ssyncset.done $0x0  }
0xa1: {  	[sflag:s23] =	ssyncadd.s32 s5;
	_ =	sdelay $0x1  }
0xa2: {  	s24 =	simm.s32 $0x1B8B  }
0xa3: {  	_ =	swait.ge [sflag:s24], $0x1  }
0xa4: {  	[sflag:s24] =	ssyncset.done $0x0  }
0xa5: {  	s25 =	simm.s32 $0x1B8E;
	[sflag:s24] =	ssyncadd.s32 $0xFFFFFFFF  }
0xa6: {  	s26 =	simm.s32 $execute0_lowered;
	[smem:$0x3FD2] =	sst s25  }
0xa7: {  	s5 =	sshll.u32 s26, $0x1;
	_ =	strace $0x80000046;
	[dreg:$0x1] =	wrdreg $0xFFFFFFFF  }
0xa8: {  	s28 =	simm.s32 $_size_execute0_lowered;
	s4 =	sadd.s32 s4, s5;
	[dreg:$0x0] =	wrdreg $0x0  }
0xa9: {  	s5 =	sshll.u32 s28, $0x1;
	[dreg:$0x2] =	wrdreg s4  }
0xaa: {  	[dreg:$0x3] =	wrdreg s5  }
0xab: {  	[dreg:$0x4] =	wrdreg $0xC0  }
0xac: {  	_ =	task [dreg:s8], $0x5FFFF  }
0xad: {  	[dreg:$0x1] =	wrdreg $0xFFFFFFFF  }
0xae: {  	[dreg:$0x0] =	wrdreg $0x60  }
0xaf: {  	[dreg:$0x2] =	wrdreg s2  }
0xb0: {  	[dreg:$0x3] =	wrdreg s19  }
0xb1: {  	[dreg:$0x4] =	wrdreg $0x9  }
0xb2: {  	_ =	task.clear_ibuf [dreg:s8], $0x5FFFF;
	_ =	strace $0x90000046  }
0xb3: {  	s29 =	simm.s32 $0x9;
	_ =	strace $0x80000048  }
0xb4: {  	_ =	swait.ge [sflag:s29], $0x1  }
0xb5: {  	[sflag:s29] =	ssyncadd.s32 $0xFFFFFFFF  }
0xb6: {  	_ =	strace $0x90000048  }
0xb7: {  	_ =	sfence  }
0xb8: {  	s30 =	sld [smem:$0x0];
	_ =	sdelay $0x2  }
0xb9: {  	s31 =	sshll.u32 s1, $0xD;
	s1 =	sshrl.u32 s1, $0x2  }
0xba: {  	s3 =	sand.u32 $0x4000, s31;
	s1 =	sadd.s32 s1, s30  }
0xbb: {  	s0 =	sor.u32 s3, s0;
	s1 =	sshll.u32 s1, $0x11  }
0xbc: {  	s0 =	sor.u32 s1, s0  }
0xbd: {  	s0 =	sadd.s32 $0x8F2B, s0  }
0xbe: {  	[sflag:s0] =	ssyncadd.remote.s32 $0x1  }
0xbf: {  	_ =	sfence.sel $0xFFFF  }
0xc0: {  	[dreg:$0x0] =	wrdreg $0xFFFFFFFF;
	(pc) =	sbr.abs _section_cstart, $3  }
0xc1: {  	[dreg:$0x1] =	wrdreg $0xFFFFFFFF  }
0xc2: {  	_ =	task.clear_ibuf [dreg:s8], $0x2FFFF;
	_ =	strace $0x9FFFFFFF  }
0xc3: {  	(tm) =	ssettm $0x7FFFFFFF  }
tec
execute0_lowered:
.L_overlay_start_1:
0x0: {  	(tag) =	ssettag $0x1  }
0x1: {  	s2 =	rddreg [dreg:$0x0];
	s1 =	srdreg.scid  }
0x2: {  	s0 =	stileid.u32;
	s8 =	rddreg [dreg:$0x1]  }
0x3: {  	s3 =	simm.s32 $0x0;
	s11 =	simm.s32 $0x1;
	s12 =	simm.s32 $0x2  }
0x4: {  	s13 =	simm.s32 $0xC800;
	s4 =	sand.u32 $0x1, s1;
	s5 =	sshll.u32 s0, $0x1  }
0x5: {  	s14 =	simm.s32 $0x3;
	s15 =	simm.s32 $0x0;
	s7 =	sor.u32 s4, s5  }
0x6: {  	s1 =	rddreg [dreg:$0x2];
	s4 =	ssub.s32 $0x2, s4;
	s5 =	smul.u32 $0xBB800, s7  }
0x7: {  	[smem:$0x7FF] =	sst s3;
	s6 =	sshrl.u32 s4, $0x1;
	s9 =	smul.u32 $0x17700, s7  }
0x8: {  	s31 =	sshll.u32 s7, $0x4;
	s10 =	ssub.s32 s4, s6;
	s4 =	smul.u32 $0x1770, s7  }
0x9: {  	_ =	strace $0x80000047;
	s8 =	sadd.s32 s8, s31;
	s5 =	sshrl.u32 s5, $0x3  }
0xa: {  	s30 =	sadd.s32 s2, s5;
	s5 =	sadd.s32 s2, s9;
	s7 =	sadd.s32 $0xC8, s4  }
0xb: {  	s9 =	smax.u32 s10, $0x1;
	s10 =	simm.s32 $0x6400;
	s6 =	sadd.s32 $0xC80, s30  }
.LBB2_1:
0xc: {  	[tilespmem:s3], [sflag:$0x1] =	stream.linear.gather [hbm4b:s5+s3], $0x6400, $0x38;
	v2 =	vimm.f32 $0.0e+00;
	v3 =	vimm.f32 $0.0e+00;
	[tilespmem:$0xC880] =	vst v63  }
0xd: {  	v10 =	vimm.f32 $0.0e+00;
	v11 =	vimm.f32 $0.0e+00;
	v6 =	vimm.f32 $0.0e+00;
	s17 =	simm.s32 $0x0  }
0xe: {  	v7 =	vimm.f32 $0.0e+00;
	v8 =	vimm.f32 $0.0e+00;
	v9 =	vimm.f32 $0.0e+00;
	[tilespmem:s10], [sflag:$0x2] =	stream.linear.gather [hbm4b:s6+s3], $0x6400, $0x38;
	[tilespmem:$0xC880] =	vst v63  }
.LBB2_2:
0xf: {  	_ =	swait.ge [sflag:s11], $0x6400  }
0x10: {  	[sflag:s11] =	ssyncset.done $0x0  }
0x11: {  	s18 =	simm.s32 $0x100;
	[sflag:s11] =	ssyncadd.s32 $0xFFFF9C00  }
0x12: {  	v13 =	vld [tilespmem:s18+$0x80]  }
0x13: {  	v14 =	vld [tilespmem:s18+$0x90]  }
0x14: {  	v16 =	vld [tilespmem:s18+$0xA0]  }
0x15: {  	v17 =	vld [tilespmem:s18+$0xB0]  }
0x16: {  	v0 =	vld [tilespmem:s18+$0xC0]  }
0x17: {  	v1 =	vld [tilespmem:s18+$0xD0]  }
0x18: {  	v12 =	vld [tilespmem:s18+$0x0]  }
0x19: {  	v15 =	vld [tilespmem:s18+$0x10]  }
0x1a: {  	v18 =	vld [tilespmem:s18+$0x20]  }
0x1b: {  	v19 =	vld [tilespmem:s18+$0x30]  }
0x1c: {  	v4 =	vld [tilespmem:s18+$0x40]  }
0x1d: {  	v5 =	vld [tilespmem:s18+$0x50]  }
0x1e: {  	v20 =	vld [tilespmem:s18+$0xFFFFFF80]  }
0x1f: {  	v21 =	vld [tilespmem:s18+$0xFFFFFF90]  }
0x20: {  	v22 =	vld [tilespmem:s18+$0xFFFFFF00]  }
0x21: {  	v23 =	vld [tilespmem:s18+$0xFFFFFF10]  }
0x22: {  	v24 =	vld [tilespmem:s18+$0xFFFFFF20]  }
0x23: {  	v25 =	vld [tilespmem:s18+$0xFFFFFF30]  }
0x24: {  	v63 =	vld [tilespmem:s18+$0xFFFFFF50]  }
0x25: {  	v26 =	vld [tilespmem:s18+$0xFFFFFFA0]  }
0x26: {  	v27 =	vld [tilespmem:s18+$0xFFFFFFB0]  }
0x27: {  	v28 =	vld [tilespmem:s18+$0xFFFFFFC0];
	v9 =	vadd.f32 v22, v9;
	v8 =	vadd.f32 v23, v8  }
0x28: {  	v7 =	vadd.f32 v24, v7;
	v6 =	vadd.f32 v25, v6;
	v23 =	vld [tilespmem:s18+$0xFFFFFF40]  }
0x29: {  	v22 =	vld [tilespmem:s18+$0xFFFFFFD0];
	v10 =	vadd.f32 v63, v10;
	v9 =	vadd.f32 v20, v9  }
0x2a: {  	v8 =	vadd.f32 v21, v8;
	v20 =	vld [tilespmem:s18+$0xFFFFFF60];
	v7 =	vadd.f32 v26, v7  }
0x2b: {  	v6 =	vadd.f32 v27, v6;
	v21 =	vld [tilespmem:s18+$0xFFFFFF70];
	v9 =	vadd.f32 v12, v9  }
0x2c: {  	v8 =	vadd.f32 v15, v8;
	v12 =	vld [tilespmem:s18+$0xFFFFFFE0];
	v18 =	vadd.f32 v18, v7  }
0x2d: {  	v19 =	vadd.f32 v19, v6;
	v15 =	vld [tilespmem:s18+$0xFFFFFFF0];
	v11 =	vadd.f32 v23, v11  }
0x2e: {  	v6 =	vadd.f32 v13, v9;
	v7 =	vadd.f32 v14, v8;
	v13 =	vld [tilespmem:s18+$0x60]  }
0x2f: {  	v8 =	vadd.f32 v16, v18;
	v9 =	vadd.f32 v17, v19;
	v16 =	vld [tilespmem:s18+$0x70]  }
0x30: {  	v14 =	vld [tilespmem:s18+$0xE0];
	v18 =	vadd.f32 v20, v3;
	v19 =	vadd.f32 v21, v2  }
0x31: {  	s16 =	simm.s32 $0x0;
	v17 =	vld [tilespmem:s18+$0xF0];
	s18 =	simm.s32 $0x300;
	v20 =	vadd.f32 v28, v11;
	v21 =	vadd.f32 v22, v10  }
.LBB2_3:
0x32: {  	v2 =	vld [tilespmem:s18+$0x80];
	v3 =	vadd.f32 v12, v18;
	v10 =	vadd.f32 v15, v19  }
0x33: {  	v11 =	vld [tilespmem:s18+$0x90];
	v4 =	vadd.f32 v4, v20;
	v5 =	vadd.f32 v5, v21  }
0x34: {  	v18 =	vld [tilespmem:s18+$0xA0];
	v3 =	vadd.f32 v13, v3;
	v10 =	vadd.f32 v16, v10  }
0x35: {  	v16 =	vld [tilespmem:s18+$0xB0];
	v19 =	vadd.f32 v0, v4;
	v20 =	vadd.f32 v1, v5  }
0x36: {  	v0 =	vld [tilespmem:s18+$0xC0];
	v3 =	vadd.f32 v14, v3;
	v10 =	vadd.f32 v17, v10  }
0x37: {  	v1 =	vld [tilespmem:s18+$0xD0]  }
0x38: {  	v12 =	vld [tilespmem:s18+$0x0]  }
0x39: {  	v13 =	vld [tilespmem:s18+$0x10]  }
0x3a: {  	v14 =	vld [tilespmem:s18+$0x20]  }
0x3b: {  	v15 =	vld [tilespmem:s18+$0x30]  }
0x3c: {  	v4 =	vld [tilespmem:s18+$0x40]  }
0x3d: {  	v5 =	vld [tilespmem:s18+$0x50]  }
0x3e: {  	v17 =	vld [tilespmem:s18+$0xFFFFFF80]  }
0x3f: {  	v21 =	vld [tilespmem:s18+$0xFFFFFF90]  }
0x40: {  	v22 =	vld [tilespmem:s18+$0xFFFFFF00]  }
0x41: {  	v23 =	vld [tilespmem:s18+$0xFFFFFF10]  }
0x42: {  	v24 =	vld [tilespmem:s18+$0xFFFFFF20]  }
0x43: {  	v25 =	vld [tilespmem:s18+$0xFFFFFF30]  }
0x44: {  	v26 =	vld [tilespmem:s18+$0xFFFFFFA0]  }
0x45: {  	v27 =	vld [tilespmem:s18+$0xFFFFFFB0]  }
0x46: {  	v28 =	vld [tilespmem:s18+$0xFFFFFFC0]  }
0x47: {  	v6 =	vadd.f32 v22, v6;
	v7 =	vadd.f32 v23, v7;
	v22 =	vld [tilespmem:s18+$0xFFFFFFD0]  }
0x48: {  	v8 =	vadd.f32 v24, v8;
	v9 =	vadd.f32 v25, v9;
	v23 =	vld [tilespmem:s18+$0xFFFFFF40]  }
0x49: {  	v6 =	vadd.f32 v17, v6;
	v7 =	vadd.f32 v21, v7;
	v24 =	vld [tilespmem:s18+$0xFFFFFF50]  }
0x4a: {  	v8 =	vadd.f32 v26, v8;
	v17 =	vld [tilespmem:s18+$0xFFFFFF60];
	v9 =	vadd.f32 v27, v9  }
0x4b: {  	s16 =	sadd.s32 $0x4, s16;
	v6 =	vadd.f32 v12, v6;
	v7 =	vadd.f32 v13, v7;
	v21 =	vld [tilespmem:s18+$0xFFFFFF70]  }
0x4c: {  	p0 =	slt.u32 s16, $0xC4;
	v8 =	vadd.f32 v14, v8;
	v12 =	vld [tilespmem:s18+$0xFFFFFFE0];
	v9 =	vadd.f32 v15, v9  }
.Ltmp0:
0x4d: {  	v6 =	vadd.f32 v2, v6;
	v7 =	vadd.f32 v11, v7;
	v15 =	vld [tilespmem:s18+$0xFFFFFFF0];
	(pc) =	sbr.rel @p0 .LBB2_3-.Ltmp0, $4  }
0x4e: {  	v8 =	vadd.f32 v18, v8;
	v13 =	vld [tilespmem:s18+$0x60];
	v9 =	vadd.f32 v16, v9  }
0x4f: {  	v2 =	vadd.f32 v23, v19;
	v11 =	vadd.f32 v24, v20;
	v16 =	vld [tilespmem:s18+$0x70]  }
0x50: {  	v18 =	vadd.f32 v17, v3;
	v19 =	vadd.f32 v21, v10;
	v14 =	vld [tilespmem:s18+$0xE0]  }
0x51: {  	v20 =	vadd.f32 v28, v2;
	v21 =	vadd.f32 v22, v11;
	v17 =	vld [tilespmem:s18+$0xF0];
	s18 =	sadd.s32 $0x200, s18  }
0x52: {  	s16 =	sadd.s32 $0x1, s17;
	p0 =	seq.s32 s17, $0xE  }
0x53: {  	s17 =	smul.u32 @!p0 $0x190, s16;
	_ =	sdelay $0x1  }
0x54: {  	s18 =	sadd.s32 @!p0 s4, s17  }
0x55: {  	s18 =	sshll.u32 @!p0 s18, $0x4  }
0x56: {  	s19 =	simm.s32 @!p0 $0x0;
	s18 =	sadd.s32 @!p0 s2, s18  }
0x57: {  	[tilespmem:s19], [sflag:$0x1] =	stream.linear.gather @!p0 [hbm4b:s18+s19], $0x6400, $0x38;
	[tilespmem:$0xC880] =	vst v63  }
0x58: {  	_ =	swait.ge [sflag:s12], $0x6400  }
0x59: {  	[sflag:s12] =	ssyncset.done $0x0  }
0x5a: {  	s31 =	simm.s32 $0x6400;
	[sflag:s12] =	ssyncadd.s32 $0xFFFF9C00  }
0x5b: {  	v22 =	vld [tilespmem:s31+$0x180]  }
0x5c: {  	v23 =	vld [tilespmem:s31+$0x190]  }
0x5d: {  	v24 =	vld [tilespmem:s31+$0x1A0]  }
0x5e: {  	v25 =	vld [tilespmem:s31+$0x1B0]  }
0x5f: {  	v2 =	vld [tilespmem:s31+$0x1C0]  }
0x60: {  	v3 =	vld [tilespmem:s31+$0x1D0]  }
0x61: {  	v26 =	vld [tilespmem:s31+$0x100]  }
0x62: {  	v27 =	vld [tilespmem:s31+$0x110]  }
0x63: {  	v28 =	vld [tilespmem:s31+$0x120]  }
0x64: {  	v29 =	vld [tilespmem:s31+$0x130]  }
0x65: {  	v10 =	vld [tilespmem:s31+$0x140]  }
0x66: {  	v11 =	vld [tilespmem:s31+$0x150]  }
0x67: {  	v30 =	vld [tilespmem:s31+$0x80]  }
0x68: {  	v31 =	vld [tilespmem:s31+$0x90]  }
0x69: {  	v12 =	vadd.f32 v12, v18;
	v15 =	vadd.f32 v15, v19;
	v32 =	vld [tilespmem:s31+$0x0]  }
0x6a: {  	v33 =	vld [tilespmem:s31+$0x10]  }
0x6b: {  	v12 =	vadd.f32 v13, v12;
	v13 =	vadd.f32 v16, v15;
	v18 =	vld [tilespmem:s31+$0x20]  }
0x6c: {  	v4 =	vadd.f32 v4, v20;
	v19 =	vld [tilespmem:s31+$0x30]  }
0x6d: {  	v5 =	vadd.f32 v5, v21;
	v13 =	vadd.f32 v17, v13;
	v17 =	vld [tilespmem:s31+$0x50]  }
0x6e: {  	v4 =	vadd.f32 v0, v4;
	v15 =	vld [tilespmem:s31+$0xA0]  }
0x6f: {  	v16 =	vadd.f32 v1, v5;
	v14 =	vadd.f32 v14, v12;
	v0 =	vld [tilespmem:s31+$0xB0]  }
0x70: {  	v61 =	vld [tilespmem:s31+$0xC0];
	v1 =	vadd.f32 v32, v6;
	v5 =	vadd.f32 v33, v7  }
0x71: {  	v6 =	vadd.f32 v18, v8;
	v7 =	vadd.f32 v19, v9;
	v18 =	vld [tilespmem:s31+$0x60]  }
0x72: {  	v62 =	vld [tilespmem:s31+$0xD0];
	v63 =	vadd.f32 v17, v16;
	v1 =	vadd.f32 v30, v1  }
0x73: {  	v12 =	vld [tilespmem:s31+$0x40];
	v5 =	vadd.f32 v31, v5;
	v6 =	vadd.f32 v15, v6  }
0x74: {  	v0 =	vadd.f32 v0, v7;
	v15 =	vld [tilespmem:s31+$0x70];
	v7 =	vadd.f32 v26, v1  }
0x75: {  	v8 =	vadd.f32 v27, v5;
	v1 =	vld [tilespmem:s31+$0xE0];
	v6 =	vadd.f32 v28, v6  }
0x76: {  	v19 =	vadd.f32 v29, v0;
	v5 =	vld [tilespmem:s31+$0xF0];
	v16 =	vadd.f32 v18, v14  }
0x77: {  	v0 =	vld [tilespmem:s31+$0x160];
	v9 =	vadd.f32 v22, v7;
	v7 =	vadd.f32 v24, v6  }
0x78: {  	v6 =	vadd.f32 v25, v19;
	v19 =	vadd.f32 v12, v4;
	v12 =	vld [tilespmem:s31+$0x170]  }
0x79: {  	v8 =	vadd.f32 v23, v8;
	v4 =	vld [tilespmem:s31+$0x1E0];
	v17 =	vadd.f32 v15, v13  }
0x7a: {  	s18 =	simm.s32 $0x0;
	s19 =	simm.s32 $0x6600;
	v15 =	vadd.f32 v62, v63;
	v13 =	vld [tilespmem:s31+$0x1F0];
	v14 =	vadd.f32 v61, v19  }
.LBB2_5:
0x7b: {  	v18 =	vld [tilespmem:s19+$0x180];
	v1 =	vadd.f32 v1, v16;
	v5 =	vadd.f32 v5, v17  }
0x7c: {  	v16 =	vld [tilespmem:s19+$0x190];
	v10 =	vadd.f32 v10, v14;
	v11 =	vadd.f32 v11, v15  }
0x7d: {  	v14 =	vld [tilespmem:s19+$0x1A0];
	v0 =	vadd.f32 v0, v1;
	v1 =	vadd.f32 v12, v5  }
0x7e: {  	v12 =	vld [tilespmem:s19+$0x1B0];
	v15 =	vadd.f32 v2, v10;
	v17 =	vadd.f32 v3, v11  }
0x7f: {  	v2 =	vld [tilespmem:s19+$0x1C0];
	v4 =	vadd.f32 v4, v0;
	v13 =	vadd.f32 v13, v1  }
0x80: {  	v3 =	vld [tilespmem:s19+$0x1D0]  }
0x81: {  	v0 =	vld [tilespmem:s19+$0x100]  }
0x82: {  	v1 =	vld [tilespmem:s19+$0x110]  }
0x83: {  	v5 =	vld [tilespmem:s19+$0x120]  }
0x84: {  	v19 =	vld [tilespmem:s19+$0x130]  }
0x85: {  	v10 =	vld [tilespmem:s19+$0x140]  }
0x86: {  	v11 =	vld [tilespmem:s19+$0x150]  }
0x87: {  	v20 =	vld [tilespmem:s19+$0x80]  }
0x88: {  	v21 =	vld [tilespmem:s19+$0x90]  }
0x89: {  	v22 =	vld [tilespmem:s19+$0x0]  }
0x8a: {  	v23 =	vld [tilespmem:s19+$0x10]  }
0x8b: {  	v24 =	vld [tilespmem:s19+$0x20]  }
0x8c: {  	v25 =	vld [tilespmem:s19+$0x30]  }
0x8d: {  	v26 =	vld [tilespmem:s19+$0xA0]  }
0x8e: {  	v27 =	vld [tilespmem:s19+$0xB0]  }
0x8f: {  	v28 =	vld [tilespmem:s19+$0xC0]  }
0x90: {  	v9 =	vadd.f32 v22, v9;
	v8 =	vadd.f32 v23, v8;
	v22 =	vld [tilespmem:s19+$0xD0]  }
0x91: {  	v7 =	vadd.f32 v24, v7;
	v6 =	vadd.f32 v25, v6;
	v23 =	vld [tilespmem:s19+$0x40]  }
0x92: {  	v9 =	vadd.f32 v20, v9;
	v8 =	vadd.f32 v21, v8;
	v24 =	vld [tilespmem:s19+$0x50]  }
0x93: {  	v7 =	vadd.f32 v26, v7;
	v20 =	vld [tilespmem:s19+$0x60];
	v6 =	vadd.f32 v27, v6  }
0x94: {  	s18 =	sadd.s32 $0x4, s18;
	v0 =	vadd.f32 v0, v9;
	v8 =	vadd.f32 v1, v8;
	v21 =	vld [tilespmem:s19+$0x70]  }
0x95: {  	p1 =	slt.u32 s18, $0xC4;
	v7 =	vadd.f32 v5, v7;
	v1 =	vld [tilespmem:s19+$0xE0];
	v6 =	vadd.f32 v19, v6  }
.Ltmp1:
0x96: {  	v9 =	vadd.f32 v18, v0;
	v8 =	vadd.f32 v16, v8;
	v5 =	vld [tilespmem:s19+$0xF0];
	(pc) =	sbr.rel @p1 .LBB2_5-.Ltmp1, $4  }
0x97: {  	v7 =	vadd.f32 v14, v7;
	v0 =	vld [tilespmem:s19+$0x160];
	v6 =	vadd.f32 v12, v6  }
0x98: {  	v14 =	vadd.f32 v23, v15;
	v15 =	vadd.f32 v24, v17;
	v12 =	vld [tilespmem:s19+$0x170]  }
0x99: {  	v16 =	vadd.f32 v20, v4;
	v17 =	vadd.f32 v21, v13;
	v4 =	vld [tilespmem:s19+$0x1E0]  }
0x9a: {  	v14 =	vadd.f32 v28, v14;
	v15 =	vadd.f32 v22, v15;
	v13 =	vld [tilespmem:s19+$0x1F0];
	s19 =	sadd.s32 $0x200, s19  }
0x9b: {  	s17 =	sadd.s32 @!p0 s17, s7  }
0x9c: {  	s18 =	simm.s32 @!p0 $0x0;
	s17 =	sshll.u32 @!p0 s17, $0x4  }
0x9d: {  	s19 =	simm.s32 @!p0 $0x6400;
	p1 =	sne.s32 @!p0 s16, $0xF;
	s17 =	sadd.s32 @!p0 s2, s17  }
0x9e: {  	[tilespmem:s19], [sflag:$0x2] =	stream.linear.gather @!p0 [hbm4b:s17+s18], $0x6400, $0x38;
	[tilespmem:$0xC880] =	vst v63  }
0x9f: {  	p0 =	por p0, !p1  }
.Ltmp2:
0xa0: {  	v1 =	vadd.f32 v1, v16;
	v5 =	vadd.f32 v5, v17;
	(pc) =	sbr.rel @!p0 .LBB2_2-.Ltmp2, $4  }
0xa1: {  	v10 =	vadd.f32 v10, v14;
	v63 =	vadd.f32 v11, v15  }
0xa2: {  	v0 =	vadd.f32 v0, v1;
	v1 =	vadd.f32 v12, v5  }
0xa3: {  	v11 =	vadd.f32 v2, v10;
	v10 =	vadd.f32 v3, v63  }
0xa4: {  	s17 =	smov.u32 s16;
	v3 =	vadd.f32 v4, v0;
	v2 =	vadd.f32 v13, v1  }
0xa5: {  	[tilespmem:$0xC800] =	vst v9  }
0xa6: {  	[tilespmem:$0xC810] =	vst v8  }
0xa7: {  	[tilespmem:$0xC820] =	vst v7  }
0xa8: {  	[tilespmem:$0xC830] =	vst v6  }
0xa9: {  	[tilespmem:$0xC840] =	vst v11  }
0xaa: {  	[tilespmem:$0xC850] =	vst v10;
	s15 =	sadd.s32 $0x1, s15  }
0xab: {  	[tilespmem:$0xC860] =	vst v3;
	p0 =	sne.s32 s15, s9  }
.Ltmp3:
0xac: {  	[tilespmem:$0xC870] =	vst v2;
	(pc) =	sbr.rel @p0 .LBB2_1-.Ltmp3, $4  }
0xad: {  	[hbm4b:s8+s3] =	stream.linear.scatter [tilespmem:s13], [sflag:$0x3], $0x80, $0x38;
	[tilespmem:$0xC880] =	vst v63  }
0xae: {  	_ =	swait.ge [sflag:s14], $0x80  }
0xaf: {  	[sflag:s14] =	ssyncset.done $0x0  }
0xb0: {  	[sflag:s14] =	ssyncadd.s32 $0xFFFFFF80  }
0xb1: {  	_ =	sfence.sel $0x180000  }
0xb2: {  	[bflag:$0x0] =	sbarrier.arrive $0xFFFF  }
0xb3: {  	p0 =	sne.s32 s0, $0x0;
	_ =	strace $0x90000047  }
0xb4: {  	s0 =	sadd.s32 @!p0 $0x100000, s1;
	[bflag:$0x2] =	sbarrier.arrive $0xFFFF  }
0xb5: {  	[sflag:s0] =	ssyncadd.tile.s32 @!p0 $0x1;
	_ =	shalt  }
.Lfunc_end2:
_tile_overlayer_lowered:
.L_overlay_start_2:
0xb6: {  	(tag) =	ssettag $0x2  }
0xb7: {  	s0 =	rddreg [dreg:$0x0];
	s2 =	stileid.u32  }
0xb8: {  	s1 =	rddreg [dreg:$0x1];
	p0 =	sne.s32 s2, $0x0  }
0xb9: {  	s3 =	rddreg [dreg:$0x2];
	[bflag:$0x3] =	sbarrier.arrive $0xFFFF;
	s2 =	simm.s32 @!p0 $0x1C03  }
0xba: {  	[timem:s3], [sflag:s2] =	dma.local @!p0 [hbm:s0], s1  }
0xbb: {  	s0 =	simm.s32 @!p0 $0x3  }
0xbc: {  	_ =	swait.ge @!p0 [sflag:s0], s1  }
0xbd: {  	s1 =	ssub.s32 @!p0 $0x0, s1;
	[sflag:s0] =	ssyncset.done @!p0 $0x0  }
0xbe: {  	[sflag:s0] =	ssyncadd.s32 @!p0 s1  }
0xbf: {  	[bflag:$0x3] =	sbarrier.arrive $0xFFFF  }
0xc0: {  	_ =	shalt  }

</sc_bundles>
